<compile_context>
chip_gen: v7x
topology: tpu7x:2x2x1
jax: 0.10.2.dev20260603
libtpu: 0.0.44.dev20260713+nightly
codegen_flags: <defaults>
</compile_context>

<pallas_src>
import jax
import jax.numpy as jnp
from jax import lax
from jax.experimental import pallas as pl
from jax.experimental.pallas import tpu as pltpu
from jax.experimental.pallas import tpu_sc as plsc

B, F, V = 16384, 26, 1000000
L = 16
NC, NS = 2, 16
NW = NC * NS
ROWS_W = B // NW
E = ROWS_W * F
FSPLIT = 13
SPLIT = FSPLIT * ROWS_W


def _sc_body(idx_hbm, vals_hbm, w_hbm, b_hbm, out_hbm,
             idx_v, v_v, g_v, b_v, acc_v, out_v, sem0, sem1):
    wid = lax.axis_index("s") * NC + lax.axis_index("c")
    base = wid * E

    pltpu.sync_copy(idx_hbm.at[pl.ds(base, E)], idx_v)
    cp0 = pltpu.async_copy(
        w_hbm.at[idx_v.at[pl.ds(0, SPLIT)]], g_v.at[pl.ds(0, SPLIT)], sem0)
    cp1 = pltpu.async_copy(
        w_hbm.at[idx_v.at[pl.ds(SPLIT, E - SPLIT)]],
        g_v.at[pl.ds(SPLIT, E - SPLIT)], sem1)
    pltpu.sync_copy(vals_hbm.at[pl.ds(base, E)], v_v)
    pltpu.sync_copy(b_hbm, b_v)

    bvec = b_v[...]

    cp0.wait()

    def part0(sg, carry):
        acc = bvec
        for f in range(FSPLIT):
            s = pl.ds(f * ROWS_W + sg * L, L)
            acc = acc + g_v[s] * v_v[s]
        acc_v[pl.ds(sg * L, L)] = acc
        return carry
    lax.fori_loop(0, ROWS_W // L, part0, 0)

    cp1.wait()

    def part1(sg, carry):
        acc = acc_v[pl.ds(sg * L, L)]
        for f in range(FSPLIT, F):
            s = pl.ds(f * ROWS_W + sg * L, L)
            acc = acc + g_v[s] * v_v[s]
        out_v[pl.ds(sg * L, L)] = 1.0 / (1.0 + jnp.exp(-acc))
        return carry
    lax.fori_loop(0, ROWS_W // L, part1, 0)

    pltpu.sync_copy(out_v, out_hbm.at[pl.ds(wid * ROWS_W, ROWS_W)])


def kernel(feature_idx, feature_vals, W, b):
    idx_bt = (feature_idx.astype(jnp.int32)
              .reshape(NW, ROWS_W, F).transpose(0, 2, 1).reshape(NW * E))
    vals_bt = feature_vals.reshape(NW, ROWS_W, F).transpose(0, 2, 1).reshape(NW * E)
    b16 = jnp.broadcast_to(jnp.asarray(b, jnp.float32).reshape(()), (L,))

    mesh = plsc.VectorSubcoreMesh(core_axis_name="c", subcore_axis_name="s")
    run = pl.kernel(
        _sc_body,
        out_type=jax.ShapeDtypeStruct((B,), jnp.float32),
        mesh=mesh,
        scratch_types=[
            pltpu.VMEM((E,), jnp.int32),
            pltpu.VMEM((E,), jnp.float32),
            pltpu.VMEM((E,), jnp.float32),
            pltpu.VMEM((L,), jnp.float32),
            pltpu.VMEM((ROWS_W,), jnp.float32),
            pltpu.VMEM((ROWS_W,), jnp.float32),
            pltpu.SemaphoreType.DMA,
            pltpu.SemaphoreType.DMA,
        ],
    )
    return run(idx_bt, vals_bt, W, b16)

# --- scband reference (transcript-rebuilt; emitter-appended) ---
"""Pipeline reference for scband-lr-77558519431748 (READ-ONLY COPY).

The authoritative reference and input builder live on the scoring server;
editing this copy changes nothing except your own understanding.
"""

import jax, jax.numpy as jnp
import numpy as np

B, F, V = 16384, 26, 1000000

def setup_inputs(seed: int = 0) -> dict:
    key = jax.random.key(seed)
    k1, k2, k3 = jax.random.split(key, 3)
    feature_idx = jax.random.randint(k1, (B, F), 0, V)
    feature_vals = jax.random.uniform(k2, (B, F), dtype=jnp.float32)
    # Learned parameters of the linear section: per-feature scalar weight + global bias
    W = jax.random.normal(k3, (V,), dtype=jnp.float32) * 0.01
    b = jnp.zeros((), dtype=jnp.float32)
    return {"feature_idx": feature_idx, "feature_vals": feature_vals, "W": W, "b": b}

def reference(feature_idx, feature_vals, W, b):
    # LinearLayer: gather per-feature weights, multiply by feature values, sum over fields
    gathered = jnp.take(W, feature_idx, axis=0)  # [B, F]
    linear_term = jnp.sum(gathered * feature_vals, axis=1) + b  # [B]
    # LR: sigmoid of the linear term
    predictions = jax.nn.sigmoid(linear_term)
    return predictions

if __name__ == "__main__":
    import jax
    _d = setup_inputs()
    print(jax.jit(kernel)(*tuple(_d.values())))

</pallas_src>

<mosaic_0001>
#map = affine_map<(d0, d1) -> (0)>
module attributes {stable_mosaic.version = 14 : i64} {
  func.func @_sc_body(%arg0: i32, %arg1: i32, %arg2: memref<425984xi32, #tpu.memory_space<hbm>>, %arg3: memref<425984xf32, #tpu.memory_space<hbm>>, %arg4: memref<1000000xf32, #tpu.memory_space<hbm>>, %arg5: memref<16xf32, #tpu.memory_space<hbm>>, %arg6: memref<16384xf32, #tpu.memory_space<hbm>>, %arg7: memref<13312xi32, #tpu.memory_space<vmem>>, %arg8: memref<13312xf32, #tpu.memory_space<vmem>>, %arg9: memref<13312xf32, #tpu.memory_space<vmem>>, %arg10: memref<16xf32, #tpu.memory_space<vmem>>, %arg11: memref<512xf32, #tpu.memory_space<vmem>>, %arg12: memref<512xf32, #tpu.memory_space<vmem>>, %arg13: memref<!tpu.dma_semaphore, #tpu.memory_space<semaphore_mem>>, %arg14: memref<!tpu.dma_semaphore, #tpu.memory_space<semaphore_mem>>) attributes {dimension_semantics = [#tpu.dimension_semantics<core_parallel>, #tpu.dimension_semantics<subcore_parallel>], iteration_bounds = array<i64: 2, 16>, scalar_prefetch = 0 : i64, scratch_operands = 8 : i64, tpu.core_type = #tpu.core_type<sc_vector_subcore>, window_params = [{transform_indices = #map}, {transform_indices = #map}, {transform_indices = #map}, {transform_indices = #map}, {transform_indices = #map}]} {
    %mul3A = arith.constant 2 : i32
    %mul3A_0 = arith.muli %arg1, %mul3A : i32
    %add3A = arith.addi %mul3A_0, %arg0 : i32
    %mul3A_1 = arith.constant 13312 : i32
    %mul3A_2 = arith.muli %add3A, %mul3A_1 : i32
    "tpu.region"() ({
      %run_scoped3A = tpu.sem_alloc : memref<!tpu.dma_semaphore, #tpu.memory_space<semaphore_mem>>
      %dma_start3A_40 = tpu.memref_slice %arg2[%mul3A_2] : memref<425984xi32, #tpu.memory_space<hbm>> -> memref<13312xi32, #tpu.memory_space<hbm>>
      %dma_start3A_41 = tpu.memref_slice %arg2[%mul3A_2] : memref<425984xi32, #tpu.memory_space<hbm>> -> memref<13312xi32, #tpu.memory_space<hbm>>
      tpu.enqueue_dma source(%dma_start3A_41 : memref<13312xi32, #tpu.memory_space<hbm>>) target(%arg7 : memref<13312xi32, #tpu.memory_space<vmem>>) target_semaphore(%run_scoped3A : memref<!tpu.dma_semaphore, #tpu.memory_space<semaphore_mem>>)
      %dma_wait3A_42 = tpu.memref_slice %arg2[%mul3A_2] : memref<425984xi32, #tpu.memory_space<hbm>> -> memref<13312xi32, #tpu.memory_space<hbm>>
      %dma_wait3A_43 = tpu.memref_slice %arg2[%mul3A_2] : memref<425984xi32, #tpu.memory_space<hbm>> -> memref<13312xi32, #tpu.memory_space<hbm>>
      tpu.wait_dma2 semaphore(%run_scoped3A : memref<!tpu.dma_semaphore, #tpu.memory_space<semaphore_mem>>) src(%dma_wait3A_43 : memref<13312xi32, #tpu.memory_space<hbm>>) dst(%arg7 : memref<13312xi32, #tpu.memory_space<vmem>>)
      tpu.yield
    }) : () -> ()
    %dma_start3A = arith.constant 0 : i32
    %dma_start3A_3 = tpu.memref_slice %arg9[%dma_start3A] : memref<13312xf32, #tpu.memory_space<vmem>> -> memref<6656xf32, #tpu.memory_space<vmem>>
    %dma_start3A_4 = arith.constant 0 : i32
    %dma_start3A_5 = tpu.memref_slice %arg7[%dma_start3A_4] : memref<13312xi32, #tpu.memory_space<vmem>> -> memref<6656xi32, #tpu.memory_space<vmem>>
    %dma_start3A_6 = arith.constant 0 : i32
    %dma_start3A_7 = tpu.memref_slice %arg4[%dma_start3A_6] : memref<1000000xf32, #tpu.memory_space<hbm>> -> memref<1000000xf32, #tpu.memory_space<hbm>>
    tpu.enqueue_indirect_dma source(%dma_start3A_7 : memref<1000000xf32, #tpu.memory_space<hbm>>) target(%dma_start3A_3 : memref<6656xf32, #tpu.memory_space<vmem>>) offsets(%dma_start3A_5 : memref<6656xi32, #tpu.memory_space<vmem>>) semaphore(%arg13 : memref<!tpu.dma_semaphore, #tpu.memory_space<semaphore_mem>>)
    %dma_start3A_8 = arith.constant 6656 : i32
    %dma_start3A_9 = tpu.memref_slice %arg9[%dma_start3A_8] : memref<13312xf32, #tpu.memory_space<vmem>> -> memref<6656xf32, #tpu.memory_space<vmem>>
    %dma_start3A_10 = arith.constant 6656 : i32
    %dma_start3A_11 = tpu.memref_slice %arg7[%dma_start3A_10] : memref<13312xi32, #tpu.memory_space<vmem>> -> memref<6656xi32, #tpu.memory_space<vmem>>
    %dma_start3A_12 = arith.constant 0 : i32
    %dma_start3A_13 = tpu.memref_slice %arg4[%dma_start3A_12] : memref<1000000xf32, #tpu.memory_space<hbm>> -> memref<1000000xf32, #tpu.memory_space<hbm>>
    tpu.enqueue_indirect_dma source(%dma_start3A_13 : memref<1000000xf32, #tpu.memory_space<hbm>>) target(%dma_start3A_9 : memref<6656xf32, #tpu.memory_space<vmem>>) offsets(%dma_start3A_11 : memref<6656xi32, #tpu.memory_space<vmem>>) semaphore(%arg14 : memref<!tpu.dma_semaphore, #tpu.memory_space<semaphore_mem>>)
    "tpu.region"() ({
      %run_scoped3A = tpu.sem_alloc : memref<!tpu.dma_semaphore, #tpu.memory_space<semaphore_mem>>
      %dma_start3A_40 = tpu.memref_slice %arg3[%mul3A_2] : memref<425984xf32, #tpu.memory_space<hbm>> -> memref<13312xf32, #tpu.memory_space<hbm>>
      %dma_start3A_41 = tpu.memref_slice %arg3[%mul3A_2] : memref<425984xf32, #tpu.memory_space<hbm>> -> memref<13312xf32, #tpu.memory_space<hbm>>
      tpu.enqueue_dma source(%dma_start3A_41 : memref<13312xf32, #tpu.memory_space<hbm>>) target(%arg8 : memref<13312xf32, #tpu.memory_space<vmem>>) target_semaphore(%run_scoped3A : memref<!tpu.dma_semaphore, #tpu.memory_space<semaphore_mem>>)
      %dma_wait3A_42 = tpu.memref_slice %arg3[%mul3A_2] : memref<425984xf32, #tpu.memory_space<hbm>> -> memref<13312xf32, #tpu.memory_space<hbm>>
      %dma_wait3A_43 = tpu.memref_slice %arg3[%mul3A_2] : memref<425984xf32, #tpu.memory_space<hbm>> -> memref<13312xf32, #tpu.memory_space<hbm>>
      tpu.wait_dma2 semaphore(%run_scoped3A : memref<!tpu.dma_semaphore, #tpu.memory_space<semaphore_mem>>) src(%dma_wait3A_43 : memref<13312xf32, #tpu.memory_space<hbm>>) dst(%arg8 : memref<13312xf32, #tpu.memory_space<vmem>>)
      tpu.yield
    }) : () -> ()
    "tpu.region"() ({
      %run_scoped3A = tpu.sem_alloc : memref<!tpu.dma_semaphore, #tpu.memory_space<semaphore_mem>>
      tpu.enqueue_dma source(%arg5 : memref<16xf32, #tpu.memory_space<hbm>>) target(%arg10 : memref<16xf32, #tpu.memory_space<vmem>>) target_semaphore(%run_scoped3A : memref<!tpu.dma_semaphore, #tpu.memory_space<semaphore_mem>>)
      tpu.wait_dma2 semaphore(%run_scoped3A : memref<!tpu.dma_semaphore, #tpu.memory_space<semaphore_mem>>) src(%arg5 : memref<16xf32, #tpu.memory_space<hbm>>) dst(%arg10 : memref<16xf32, #tpu.memory_space<vmem>>)
      tpu.yield
    }) : () -> ()
    %get3A = arith.constant 0 : index
    %get3A_14 = tpu.vector_load %arg10[%get3A] {strides = array<i32>} : memref<16xf32, #tpu.memory_space<vmem>>, vector<16xf32>,
    %get3A_15 = vector.shape_cast %get3A_14 : vector<16xf32> to vector<16xf32>
    %dma_wait3A = arith.constant 0 : i32
    %dma_wait3A_16 = tpu.memref_slice %arg9[%dma_wait3A] : memref<13312xf32, #tpu.memory_space<vmem>> -> memref<6656xf32, #tpu.memory_space<vmem>>
    %dma_wait3A_17 = arith.constant 0 : i32
    %dma_wait3A_18 = tpu.memref_slice %arg7[%dma_wait3A_17] : memref<13312xi32, #tpu.memory_space<vmem>> -> memref<6656xi32, #tpu.memory_space<vmem>>
    %dma_wait3A_19 = arith.constant 0 : i32
    %dma_wait3A_20 = tpu.memref_slice %arg4[%dma_wait3A_19] : memref<1000000xf32, #tpu.memory_space<hbm>> -> memref<1000000xf32, #tpu.memory_space<hbm>>
    tpu.wait_indirect_dma semaphore(%arg13 : memref<!tpu.dma_semaphore, #tpu.memory_space<semaphore_mem>>) src(%dma_wait3A_20 : memref<1000000xf32, #tpu.memory_space<hbm>>) dst(%dma_wait3A_16 : memref<6656xf32, #tpu.memory_space<vmem>>)
    %scan3A = arith.constant 0 : i32
    %scan3A_21 = arith.constant 0 : i32
    %scan3A_22 = arith.constant 32 : i32
    %scan3A_23 = arith.addi %scan3A_21, %scan3A_22 : i32
    %scan3A_24 = arith.constant 1 : i32
    scf.for %scan3A_40 = %scan3A_21 to %scan3A_23 step %scan3A_24  : i32 {
      %mul3A_41 = arith.constant 16 : i32
      %mul3A_42 = arith.muli %scan3A_40, %mul3A_41 : i32
      %add3A_43 = arith.constant 0 : i32
      %add3A_44 = arith.addi %add3A_43, %mul3A_42 : i32
      %get3A_45 = arith.index_cast %add3A_44 : i32 to index
      %get3A_46 = tpu.vector_load %arg9[%get3A_45] {strides = array<i32>} : memref<13312xf32, #tpu.memory_space<vmem>>, vector<16xf32>,
      %get3A_47 = vector.shape_cast %get3A_46 : vector<16xf32> to vector<16xf32>
      %get3A_48 = arith.index_cast %add3A_44 : i32 to index
      %get3A_49 = tpu.vector_load %arg8[%get3A_48] {strides = array<i32>} : memref<13312xf32, #tpu.memory_space<vmem>>, vector<16xf32>,
      %get3A_50 = vector.shape_cast %get3A_49 : vector<16xf32> to vector<16xf32>
      %mul3A_51 = arith.mulf %get3A_47, %get3A_50 : vector<16xf32>
      %add3A_52 = arith.addf %get3A_15, %mul3A_51 : vector<16xf32>
      %mul3A_53 = arith.constant 16 : i32
      %mul3A_54 = arith.muli %scan3A_40, %mul3A_53 : i32
      %add3A_55 = arith.constant 512 : i32
      %add3A_56 = arith.addi %add3A_55, %mul3A_54 : i32
      %get3A_57 = arith.index_cast %add3A_56 : i32 to index
      %get3A_58 = tpu.vector_load %arg9[%get3A_57] {strides = array<i32>} : memref<13312xf32, #tpu.memory_space<vmem>>, vector<16xf32>,
      %get3A_59 = vector.shape_cast %get3A_58 : vector<16xf32> to vector<16xf32>
      %get3A_60 = arith.index_cast %add3A_56 : i32 to index
      %get3A_61 = tpu.vector_load %arg8[%get3A_60] {strides = array<i32>} : memref<13312xf32, #tpu.memory_space<vmem>>, vector<16xf32>,
      %get3A_62 = vector.shape_cast %get3A_61 : vector<16xf32> to vector<16xf32>
      %mul3A_63 = arith.mulf %get3A_59, %get3A_62 : vector<16xf32>
      %add3A_64 = arith.addf %add3A_52, %mul3A_63 : vector<16xf32>
      %mul3A_65 = arith.constant 16 : i32
      %mul3A_66 = arith.muli %scan3A_40, %mul3A_65 : i32
      %add3A_67 = arith.constant 1024 : i32
      %add3A_68 = arith.addi %add3A_67, %mul3A_66 : i32
      %get3A_69 = arith.index_cast %add3A_68 : i32 to index
      %get3A_70 = tpu.vector_load %arg9[%get3A_69] {strides = array<i32>} : memref<13312xf32, #tpu.memory_space<vmem>>, vector<16xf32>,
      %get3A_71 = vector.shape_cast %get3A_70 : vector<16xf32> to vector<16xf32>
      %get3A_72 = arith.index_cast %add3A_68 : i32 to index
      %get3A_73 = tpu.vector_load %arg8[%get3A_72] {strides = array<i32>} : memref<13312xf32, #tpu.memory_space<vmem>>, vector<16xf32>,
      %get3A_74 = vector.shape_cast %get3A_73 : vector<16xf32> to vector<16xf32>
      %mul3A_75 = arith.mulf %get3A_71, %get3A_74 : vector<16xf32>
      %add3A_76 = arith.addf %add3A_64, %mul3A_75 : vector<16xf32>
      %mul3A_77 = arith.constant 16 : i32
      %mul3A_78 = arith.muli %scan3A_40, %mul3A_77 : i32
      %add3A_79 = arith.constant 1536 : i32
      %add3A_80 = arith.addi %add3A_79, %mul3A_78 : i32
      %get3A_81 = arith.index_cast %add3A_80 : i32 to index
      %get3A_82 = tpu.vector_load %arg9[%get3A_81] {strides = array<i32>} : memref<13312xf32, #tpu.memory_space<vmem>>, vector<16xf32>,
      %get3A_83 = vector.shape_cast %get3A_82 : vector<16xf32> to vector<16xf32>
      %get3A_84 = arith.index_cast %add3A_80 : i32 to index
      %get3A_85 = tpu.vector_load %arg8[%get3A_84] {strides = array<i32>} : memref<13312xf32, #tpu.memory_space<vmem>>, vector<16xf32>,
      %get3A_86 = vector.shape_cast %get3A_85 : vector<16xf32> to vector<16xf32>
      %mul3A_87 = arith.mulf %get3A_83, %get3A_86 : vector<16xf32>
      %add3A_88 = arith.addf %add3A_76, %mul3A_87 : vector<16xf32>
      %mul3A_89 = arith.constant 16 : i32
      %mul3A_90 = arith.muli %scan3A_40, %mul3A_89 : i32
      %add3A_91 = arith.constant 2048 : i32
      %add3A_92 = arith.addi %add3A_91, %mul3A_90 : i32
      %get3A_93 = arith.index_cast %add3A_92 : i32 to index
      %get3A_94 = tpu.vector_load %arg9[%get3A_93] {strides = array<i32>} : memref<13312xf32, #tpu.memory_space<vmem>>, vector<16xf32>,
      %get3A_95 = vector.shape_cast %get3A_94 : vector<16xf32> to vector<16xf32>
      %get3A_96 = arith.index_cast %add3A_92 : i32 to index
      %get3A_97 = tpu.vector_load %arg8[%get3A_96] {strides = array<i32>} : memref<13312xf32, #tpu.memory_space<vmem>>, vector<16xf32>,
      %get3A_98 = vector.shape_cast %get3A_97 : vector<16xf32> to vector<16xf32>
      %mul3A_99 = arith.mulf %get3A_95, %get3A_98 : vector<16xf32>
      %add3A_100 = arith.addf %add3A_88, %mul3A_99 : vector<16xf32>
      %mul3A_101 = arith.constant 16 : i32
      %mul3A_102 = arith.muli %scan3A_40, %mul3A_101 : i32
      %add3A_103 = arith.constant 2560 : i32
      %add3A_104 = arith.addi %add3A_103, %mul3A_102 : i32
      %get3A_105 = arith.index_cast %add3A_104 : i32 to index
      %get3A_106 = tpu.vector_load %arg9[%get3A_105] {strides = array<i32>} : memref<13312xf32, #tpu.memory_space<vmem>>, vector<16xf32>,
      %get3A_107 = vector.shape_cast %get3A_106 : vector<16xf32> to vector<16xf32>
      %get3A_108 = arith.index_cast %add3A_104 : i32 to index
      %get3A_109 = tpu.vector_load %arg8[%get3A_108] {strides = array<i32>} : memref<13312xf32, #tpu.memory_space<vmem>>, vector<16xf32>,
      %get3A_110 = vector.shape_cast %get3A_109 : vector<16xf32> to vector<16xf32>
      %mul3A_111 = arith.mulf %get3A_107, %get3A_110 : vector<16xf32>
      %add3A_112 = arith.addf %add3A_100, %mul3A_111 : vector<16xf32>
      %mul3A_113 = arith.constant 16 : i32
      %mul3A_114 = arith.muli %scan3A_40, %mul3A_113 : i32
      %add3A_115 = arith.constant 3072 : i32
      %add3A_116 = arith.addi %add3A_115, %mul3A_114 : i32
      %get3A_117 = arith.index_cast %add3A_116 : i32 to index
      %get3A_118 = tpu.vector_load %arg9[%get3A_117] {strides = array<i32>} : memref<13312xf32, #tpu.memory_space<vmem>>, vector<16xf32>,
      %get3A_119 = vector.shape_cast %get3A_118 : vector<16xf32> to vector<16xf32>
      %get3A_120 = arith.index_cast %add3A_116 : i32 to index
      %get3A_121 = tpu.vector_load %arg8[%get3A_120] {strides = array<i32>} : memref<13312xf32, #tpu.memory_space<vmem>>, vector<16xf32>,
      %get3A_122 = vector.shape_cast %get3A_121 : vector<16xf32> to vector<16xf32>
      %mul3A_123 = arith.mulf %get3A_119, %get3A_122 : vector<16xf32>
      %add3A_124 = arith.addf %add3A_112, %mul3A_123 : vector<16xf32>
      %mul3A_125 = arith.constant 16 : i32
      %mul3A_126 = arith.muli %scan3A_40, %mul3A_125 : i32
      %add3A_127 = arith.constant 3584 : i32
      %add3A_128 = arith.addi %add3A_127, %mul3A_126 : i32
      %get3A_129 = arith.index_cast %add3A_128 : i32 to index
      %get3A_130 = tpu.vector_load %arg9[%get3A_129] {strides = array<i32>} : memref<13312xf32, #tpu.memory_space<vmem>>, vector<16xf32>,
      %get3A_131 = vector.shape_cast %get3A_130 : vector<16xf32> to vector<16xf32>
      %get3A_132 = arith.index_cast %add3A_128 : i32 to index
      %get3A_133 = tpu.vector_load %arg8[%get3A_132] {strides = array<i32>} : memref<13312xf32, #tpu.memory_space<vmem>>, vector<16xf32>,
      %get3A_134 = vector.shape_cast %get3A_133 : vector<16xf32> to vector<16xf32>
      %mul3A_135 = arith.mulf %get3A_131, %get3A_134 : vector<16xf32>
      %add3A_136 = arith.addf %add3A_124, %mul3A_135 : vector<16xf32>
      %mul3A_137 = arith.constant 16 : i32
      %mul3A_138 = arith.muli %scan3A_40, %mul3A_137 : i32
      %add3A_139 = arith.constant 4096 : i32
      %add3A_140 = arith.addi %add3A_139, %mul3A_138 : i32
      %get3A_141 = arith.index_cast %add3A_140 : i32 to index
      %get3A_142 = tpu.vector_load %arg9[%get3A_141] {strides = array<i32>} : memref<13312xf32, #tpu.memory_space<vmem>>, vector<16xf32>,
      %get3A_143 = vector.shape_cast %get3A_142 : vector<16xf32> to vector<16xf32>
      %get3A_144 = arith.index_cast %add3A_140 : i32 to index
      %get3A_145 = tpu.vector_load %arg8[%get3A_144] {strides = array<i32>} : memref<13312xf32, #tpu.memory_space<vmem>>, vector<16xf32>,
      %get3A_146 = vector.shape_cast %get3A_145 : vector<16xf32> to vector<16xf32>
      %mul3A_147 = arith.mulf %get3A_143, %get3A_146 : vector<16xf32>
      %add3A_148 = arith.addf %add3A_136, %mul3A_147 : vector<16xf32>
      %mul3A_149 = arith.constant 16 : i32
      %mul3A_150 = arith.muli %scan3A_40, %mul3A_149 : i32
      %add3A_151 = arith.constant 4608 : i32
      %add3A_152 = arith.addi %add3A_151, %mul3A_150 : i32
      %get3A_153 = arith.index_cast %add3A_152 : i32 to index
      %get3A_154 = tpu.vector_load %arg9[%get3A_153] {strides = array<i32>} : memref<13312xf32, #tpu.memory_space<vmem>>, vector<16xf32>,
      %get3A_155 = vector.shape_cast %get3A_154 : vector<16xf32> to vector<16xf32>
      %get3A_156 = arith.index_cast %add3A_152 : i32 to index
      %get3A_157 = tpu.vector_load %arg8[%get3A_156] {strides = array<i32>} : memref<13312xf32, #tpu.memory_space<vmem>>, vector<16xf32>,
      %get3A_158 = vector.shape_cast %get3A_157 : vector<16xf32> to vector<16xf32>
      %mul3A_159 = arith.mulf %get3A_155, %get3A_158 : vector<16xf32>
      %add3A_160 = arith.addf %add3A_148, %mul3A_159 : vector<16xf32>
      %mul3A_161 = arith.constant 16 : i32
      %mul3A_162 = arith.muli %scan3A_40, %mul3A_161 : i32
      %add3A_163 = arith.constant 5120 : i32
      %add3A_164 = arith.addi %add3A_163, %mul3A_162 : i32
      %get3A_165 = arith.index_cast %add3A_164 : i32 to index
      %get3A_166 = tpu.vector_load %arg9[%get3A_165] {strides = array<i32>} : memref<13312xf32, #tpu.memory_space<vmem>>, vector<16xf32>,
      %get3A_167 = vector.shape_cast %get3A_166 : vector<16xf32> to vector<16xf32>
      %get3A_168 = arith.index_cast %add3A_164 : i32 to index
      %get3A_169 = tpu.vector_load %arg8[%get3A_168] {strides = array<i32>} : memref<13312xf32, #tpu.memory_space<vmem>>, vector<16xf32>,
      %get3A_170 = vector.shape_cast %get3A_169 : vector<16xf32> to vector<16xf32>
      %mul3A_171 = arith.mulf %get3A_167, %get3A_170 : vector<16xf32>
      %add3A_172 = arith.addf %add3A_160, %mul3A_171 : vector<16xf32>
      %mul3A_173 = arith.constant 16 : i32
      %mul3A_174 = arith.muli %scan3A_40, %mul3A_173 : i32
      %add3A_175 = arith.constant 5632 : i32
      %add3A_176 = arith.addi %add3A_175, %mul3A_174 : i32
      %get3A_177 = arith.index_cast %add3A_176 : i32 to index
      %get3A_178 = tpu.vector_load %arg9[%get3A_177] {strides = array<i32>} : memref<13312xf32, #tpu.memory_space<vmem>>, vector<16xf32>,
      %get3A_179 = vector.shape_cast %get3A_178 : vector<16xf32> to vector<16xf32>
      %get3A_180 = arith.index_cast %add3A_176 : i32 to index
      %get3A_181 = tpu.vector_load %arg8[%get3A_180] {strides = array<i32>} : memref<13312xf32, #tpu.memory_space<vmem>>, vector<16xf32>,
      %get3A_182 = vector.shape_cast %get3A_181 : vector<16xf32> to vector<16xf32>
      %mul3A_183 = arith.mulf %get3A_179, %get3A_182 : vector<16xf32>
      %add3A_184 = arith.addf %add3A_172, %mul3A_183 : vector<16xf32>
      %mul3A_185 = arith.constant 16 : i32
      %mul3A_186 = arith.muli %scan3A_40, %mul3A_185 : i32
      %add3A_187 = arith.constant 6144 : i32
      %add3A_188 = arith.addi %add3A_187, %mul3A_186 : i32
      %get3A_189 = arith.index_cast %add3A_188 : i32 to index
      %get3A_190 = tpu.vector_load %arg9[%get3A_189] {strides = array<i32>} : memref<13312xf32, #tpu.memory_space<vmem>>, vector<16xf32>,
      %get3A_191 = vector.shape_cast %get3A_190 : vector<16xf32> to vector<16xf32>
      %get3A_192 = arith.index_cast %add3A_188 : i32 to index
      %get3A_193 = tpu.vector_load %arg8[%get3A_192] {strides = array<i32>} : memref<13312xf32, #tpu.memory_space<vmem>>, vector<16xf32>,
      %get3A_194 = vector.shape_cast %get3A_193 : vector<16xf32> to vector<16xf32>
      %mul3A_195 = arith.mulf %get3A_191, %get3A_194 : vector<16xf32>
      %add3A_196 = arith.addf %add3A_184, %mul3A_195 : vector<16xf32>
      %mul3A_197 = arith.constant 16 : i32
      %mul3A_198 = arith.muli %scan3A_40, %mul3A_197 : i32
      %swap3A = arith.index_cast %mul3A_198 : i32 to index
      %swap3A_199 = tpu.vector_load %arg11[%swap3A] {strides = array<i32>} : memref<512xf32, #tpu.memory_space<vmem>>, vector<16xf32>,
      %swap3A_200 = vector.shape_cast %swap3A_199 : vector<16xf32> to vector<16xf32>
      %swap3A_201 = vector.shape_cast %add3A_196 : vector<16xf32> to vector<16xf32>
      tpu.vector_store %arg11[%swap3A], %swap3A_201 {strides = array<i32>} : memref<512xf32, #tpu.memory_space<vmem>>, vector<16xf32>,
    }
    %scan3A_25 = arith.constant 32 : i32
    %dma_wait3A_26 = arith.constant 6656 : i32
    %dma_wait3A_27 = tpu.memref_slice %arg9[%dma_wait3A_26] : memref<13312xf32, #tpu.memory_space<vmem>> -> memref<6656xf32, #tpu.memory_space<vmem>>
    %dma_wait3A_28 = arith.constant 6656 : i32
    %dma_wait3A_29 = tpu.memref_slice %arg7[%dma_wait3A_28] : memref<13312xi32, #tpu.memory_space<vmem>> -> memref<6656xi32, #tpu.memory_space<vmem>>
    %dma_wait3A_30 = arith.constant 0 : i32
    %dma_wait3A_31 = tpu.memref_slice %arg4[%dma_wait3A_30] : memref<1000000xf32, #tpu.memory_space<hbm>> -> memref<1000000xf32, #tpu.memory_space<hbm>>
    tpu.wait_indirect_dma semaphore(%arg14 : memref<!tpu.dma_semaphore, #tpu.memory_space<semaphore_mem>>) src(%dma_wait3A_31 : memref<1000000xf32, #tpu.memory_space<hbm>>) dst(%dma_wait3A_27 : memref<6656xf32, #tpu.memory_space<vmem>>)
    %scan3A_32 = arith.constant 0 : i32
    %scan3A_33 = arith.constant 0 : i32
    %scan3A_34 = arith.constant 32 : i32
    %scan3A_35 = arith.addi %scan3A_33, %scan3A_34 : i32
    %scan3A_36 = arith.constant 1 : i32
    scf.for %scan3A_40 = %scan3A_33 to %scan3A_35 step %scan3A_36  : i32 {
      %mul3A_41 = arith.constant 16 : i32
      %mul3A_42 = arith.muli %scan3A_40, %mul3A_41 : i32
      %get3A_43 = arith.index_cast %mul3A_42 : i32 to index
      %get3A_44 = tpu.vector_load %arg11[%get3A_43] {strides = array<i32>} : memref<512xf32, #tpu.memory_space<vmem>>, vector<16xf32>,
      %get3A_45 = vector.shape_cast %get3A_44 : vector<16xf32> to vector<16xf32>
      %mul3A_46 = arith.constant 16 : i32
      %mul3A_47 = arith.muli %scan3A_40, %mul3A_46 : i32
      %add3A_48 = arith.constant 6656 : i32
      %add3A_49 = arith.addi %add3A_48, %mul3A_47 : i32
      %get3A_50 = arith.index_cast %add3A_49 : i32 to index
      %get3A_51 = tpu.vector_load %arg9[%get3A_50] {strides = array<i32>} : memref<13312xf32, #tpu.memory_space<vmem>>, vector<16xf32>,
      %get3A_52 = vector.shape_cast %get3A_51 : vector<16xf32> to vector<16xf32>
      %get3A_53 = arith.index_cast %add3A_49 : i32 to index
      %get3A_54 = tpu.vector_load %arg8[%get3A_53] {strides = array<i32>} : memref<13312xf32, #tpu.memory_space<vmem>>, vector<16xf32>,
      %get3A_55 = vector.shape_cast %get3A_54 : vector<16xf32> to vector<16xf32>
      %mul3A_56 = arith.mulf %get3A_52, %get3A_55 : vector<16xf32>
      %add3A_57 = arith.addf %get3A_45, %mul3A_56 : vector<16xf32>
      %mul3A_58 = arith.constant 16 : i32
      %mul3A_59 = arith.muli %scan3A_40, %mul3A_58 : i32
      %add3A_60 = arith.constant 7168 : i32
      %add3A_61 = arith.addi %add3A_60, %mul3A_59 : i32
      %get3A_62 = arith.index_cast %add3A_61 : i32 to index
      %get3A_63 = tpu.vector_load %arg9[%get3A_62] {strides = array<i32>} : memref<13312xf32, #tpu.memory_space<vmem>>, vector<16xf32>,
      %get3A_64 = vector.shape_cast %get3A_63 : vector<16xf32> to vector<16xf32>
      %get3A_65 = arith.index_cast %add3A_61 : i32 to index
      %get3A_66 = tpu.vector_load %arg8[%get3A_65] {strides = array<i32>} : memref<13312xf32, #tpu.memory_space<vmem>>, vector<16xf32>,
      %get3A_67 = vector.shape_cast %get3A_66 : vector<16xf32> to vector<16xf32>
      %mul3A_68 = arith.mulf %get3A_64, %get3A_67 : vector<16xf32>
      %add3A_69 = arith.addf %add3A_57, %mul3A_68 : vector<16xf32>
      %mul3A_70 = arith.constant 16 : i32
      %mul3A_71 = arith.muli %scan3A_40, %mul3A_70 : i32
      %add3A_72 = arith.constant 7680 : i32
      %add3A_73 = arith.addi %add3A_72, %mul3A_71 : i32
      %get3A_74 = arith.index_cast %add3A_73 : i32 to index
      %get3A_75 = tpu.vector_load %arg9[%get3A_74] {strides = array<i32>} : memref<13312xf32, #tpu.memory_space<vmem>>, vector<16xf32>,
      %get3A_76 = vector.shape_cast %get3A_75 : vector<16xf32> to vector<16xf32>
      %get3A_77 = arith.index_cast %add3A_73 : i32 to index
      %get3A_78 = tpu.vector_load %arg8[%get3A_77] {strides = array<i32>} : memref<13312xf32, #tpu.memory_space<vmem>>, vector<16xf32>,
      %get3A_79 = vector.shape_cast %get3A_78 : vector<16xf32> to vector<16xf32>
      %mul3A_80 = arith.mulf %get3A_76, %get3A_79 : vector<16xf32>
      %add3A_81 = arith.addf %add3A_69, %mul3A_80 : vector<16xf32>
      %mul3A_82 = arith.constant 16 : i32
      %mul3A_83 = arith.muli %scan3A_40, %mul3A_82 : i32
      %add3A_84 = arith.constant 8192 : i32
      %add3A_85 = arith.addi %add3A_84, %mul3A_83 : i32
      %get3A_86 = arith.index_cast %add3A_85 : i32 to index
      %get3A_87 = tpu.vector_load %arg9[%get3A_86] {strides = array<i32>} : memref<13312xf32, #tpu.memory_space<vmem>>, vector<16xf32>,
      %get3A_88 = vector.shape_cast %get3A_87 : vector<16xf32> to vector<16xf32>
      %get3A_89 = arith.index_cast %add3A_85 : i32 to index
      %get3A_90 = tpu.vector_load %arg8[%get3A_89] {strides = array<i32>} : memref<13312xf32, #tpu.memory_space<vmem>>, vector<16xf32>,
      %get3A_91 = vector.shape_cast %get3A_90 : vector<16xf32> to vector<16xf32>
      %mul3A_92 = arith.mulf %get3A_88, %get3A_91 : vector<16xf32>
      %add3A_93 = arith.addf %add3A_81, %mul3A_92 : vector<16xf32>
      %mul3A_94 = arith.constant 16 : i32
      %mul3A_95 = arith.muli %scan3A_40, %mul3A_94 : i32
      %add3A_96 = arith.constant 8704 : i32
      %add3A_97 = arith.addi %add3A_96, %mul3A_95 : i32
      %get3A_98 = arith.index_cast %add3A_97 : i32 to index
      %get3A_99 = tpu.vector_load %arg9[%get3A_98] {strides = array<i32>} : memref<13312xf32, #tpu.memory_space<vmem>>, vector<16xf32>,
      %get3A_100 = vector.shape_cast %get3A_99 : vector<16xf32> to vector<16xf32>
      %get3A_101 = arith.index_cast %add3A_97 : i32 to index
      %get3A_102 = tpu.vector_load %arg8[%get3A_101] {strides = array<i32>} : memref<13312xf32, #tpu.memory_space<vmem>>, vector<16xf32>,
      %get3A_103 = vector.shape_cast %get3A_102 : vector<16xf32> to vector<16xf32>
      %mul3A_104 = arith.mulf %get3A_100, %get3A_103 : vector<16xf32>
      %add3A_105 = arith.addf %add3A_93, %mul3A_104 : vector<16xf32>
      %mul3A_106 = arith.constant 16 : i32
      %mul3A_107 = arith.muli %scan3A_40, %mul3A_106 : i32
      %add3A_108 = arith.constant 9216 : i32
      %add3A_109 = arith.addi %add3A_108, %mul3A_107 : i32
      %get3A_110 = arith.index_cast %add3A_109 : i32 to index
      %get3A_111 = tpu.vector_load %arg9[%get3A_110] {strides = array<i32>} : memref<13312xf32, #tpu.memory_space<vmem>>, vector<16xf32>,
      %get3A_112 = vector.shape_cast %get3A_111 : vector<16xf32> to vector<16xf32>
      %get3A_113 = arith.index_cast %add3A_109 : i32 to index
      %get3A_114 = tpu.vector_load %arg8[%get3A_113] {strides = array<i32>} : memref<13312xf32, #tpu.memory_space<vmem>>, vector<16xf32>,
      %get3A_115 = vector.shape_cast %get3A_114 : vector<16xf32> to vector<16xf32>
      %mul3A_116 = arith.mulf %get3A_112, %get3A_115 : vector<16xf32>
      %add3A_117 = arith.addf %add3A_105, %mul3A_116 : vector<16xf32>
      %mul3A_118 = arith.constant 16 : i32
      %mul3A_119 = arith.muli %scan3A_40, %mul3A_118 : i32
      %add3A_120 = arith.constant 9728 : i32
      %add3A_121 = arith.addi %add3A_120, %mul3A_119 : i32
      %get3A_122 = arith.index_cast %add3A_121 : i32 to index
      %get3A_123 = tpu.vector_load %arg9[%get3A_122] {strides = array<i32>} : memref<13312xf32, #tpu.memory_space<vmem>>, vector<16xf32>,
      %get3A_124 = vector.shape_cast %get3A_123 : vector<16xf32> to vector<16xf32>
      %get3A_125 = arith.index_cast %add3A_121 : i32 to index
      %get3A_126 = tpu.vector_load %arg8[%get3A_125] {strides = array<i32>} : memref<13312xf32, #tpu.memory_space<vmem>>, vector<16xf32>,
      %get3A_127 = vector.shape_cast %get3A_126 : vector<16xf32> to vector<16xf32>
      %mul3A_128 = arith.mulf %get3A_124, %get3A_127 : vector<16xf32>
      %add3A_129 = arith.addf %add3A_117, %mul3A_128 : vector<16xf32>
      %mul3A_130 = arith.constant 16 : i32
      %mul3A_131 = arith.muli %scan3A_40, %mul3A_130 : i32
      %add3A_132 = arith.constant 10240 : i32
      %add3A_133 = arith.addi %add3A_132, %mul3A_131 : i32
      %get3A_134 = arith.index_cast %add3A_133 : i32 to index
      %get3A_135 = tpu.vector_load %arg9[%get3A_134] {strides = array<i32>} : memref<13312xf32, #tpu.memory_space<vmem>>, vector<16xf32>,
      %get3A_136 = vector.shape_cast %get3A_135 : vector<16xf32> to vector<16xf32>
      %get3A_137 = arith.index_cast %add3A_133 : i32 to index
      %get3A_138 = tpu.vector_load %arg8[%get3A_137] {strides = array<i32>} : memref<13312xf32, #tpu.memory_space<vmem>>, vector<16xf32>,
      %get3A_139 = vector.shape_cast %get3A_138 : vector<16xf32> to vector<16xf32>
      %mul3A_140 = arith.mulf %get3A_136, %get3A_139 : vector<16xf32>
      %add3A_141 = arith.addf %add3A_129, %mul3A_140 : vector<16xf32>
      %mul3A_142 = arith.constant 16 : i32
      %mul3A_143 = arith.muli %scan3A_40, %mul3A_142 : i32
      %add3A_144 = arith.constant 10752 : i32
      %add3A_145 = arith.addi %add3A_144, %mul3A_143 : i32
      %get3A_146 = arith.index_cast %add3A_145 : i32 to index
      %get3A_147 = tpu.vector_load %arg9[%get3A_146] {strides = array<i32>} : memref<13312xf32, #tpu.memory_space<vmem>>, vector<16xf32>,
      %get3A_148 = vector.shape_cast %get3A_147 : vector<16xf32> to vector<16xf32>
      %get3A_149 = arith.index_cast %add3A_145 : i32 to index
      %get3A_150 = tpu.vector_load %arg8[%get3A_149] {strides = array<i32>} : memref<13312xf32, #tpu.memory_space<vmem>>, vector<16xf32>,
      %get3A_151 = vector.shape_cast %get3A_150 : vector<16xf32> to vector<16xf32>
      %mul3A_152 = arith.mulf %get3A_148, %get3A_151 : vector<16xf32>
      %add3A_153 = arith.addf %add3A_141, %mul3A_152 : vector<16xf32>
      %mul3A_154 = arith.constant 16 : i32
      %mul3A_155 = arith.muli %scan3A_40, %mul3A_154 : i32
      %add3A_156 = arith.constant 11264 : i32
      %add3A_157 = arith.addi %add3A_156, %mul3A_155 : i32
      %get3A_158 = arith.index_cast %add3A_157 : i32 to index
      %get3A_159 = tpu.vector_load %arg9[%get3A_158] {strides = array<i32>} : memref<13312xf32, #tpu.memory_space<vmem>>, vector<16xf32>,
      %get3A_160 = vector.shape_cast %get3A_159 : vector<16xf32> to vector<16xf32>
      %get3A_161 = arith.index_cast %add3A_157 : i32 to index
      %get3A_162 = tpu.vector_load %arg8[%get3A_161] {strides = array<i32>} : memref<13312xf32, #tpu.memory_space<vmem>>, vector<16xf32>,
      %get3A_163 = vector.shape_cast %get3A_162 : vector<16xf32> to vector<16xf32>
      %mul3A_164 = arith.mulf %get3A_160, %get3A_163 : vector<16xf32>
      %add3A_165 = arith.addf %add3A_153, %mul3A_164 : vector<16xf32>
      %mul3A_166 = arith.constant 16 : i32
      %mul3A_167 = arith.muli %scan3A_40, %mul3A_166 : i32
      %add3A_168 = arith.constant 11776 : i32
      %add3A_169 = arith.addi %add3A_168, %mul3A_167 : i32
      %get3A_170 = arith.index_cast %add3A_169 : i32 to index
      %get3A_171 = tpu.vector_load %arg9[%get3A_170] {strides = array<i32>} : memref<13312xf32, #tpu.memory_space<vmem>>, vector<16xf32>,
      %get3A_172 = vector.shape_cast %get3A_171 : vector<16xf32> to vector<16xf32>
      %get3A_173 = arith.index_cast %add3A_169 : i32 to index
      %get3A_174 = tpu.vector_load %arg8[%get3A_173] {strides = array<i32>} : memref<13312xf32, #tpu.memory_space<vmem>>, vector<16xf32>,
      %get3A_175 = vector.shape_cast %get3A_174 : vector<16xf32> to vector<16xf32>
      %mul3A_176 = arith.mulf %get3A_172, %get3A_175 : vector<16xf32>
      %add3A_177 = arith.addf %add3A_165, %mul3A_176 : vector<16xf32>
      %mul3A_178 = arith.constant 16 : i32
      %mul3A_179 = arith.muli %scan3A_40, %mul3A_178 : i32
      %add3A_180 = arith.constant 12288 : i32
      %add3A_181 = arith.addi %add3A_180, %mul3A_179 : i32
      %get3A_182 = arith.index_cast %add3A_181 : i32 to index
      %get3A_183 = tpu.vector_load %arg9[%get3A_182] {strides = array<i32>} : memref<13312xf32, #tpu.memory_space<vmem>>, vector<16xf32>,
      %get3A_184 = vector.shape_cast %get3A_183 : vector<16xf32> to vector<16xf32>
      %get3A_185 = arith.index_cast %add3A_181 : i32 to index
      %get3A_186 = tpu.vector_load %arg8[%get3A_185] {strides = array<i32>} : memref<13312xf32, #tpu.memory_space<vmem>>, vector<16xf32>,
      %get3A_187 = vector.shape_cast %get3A_186 : vector<16xf32> to vector<16xf32>
      %mul3A_188 = arith.mulf %get3A_184, %get3A_187 : vector<16xf32>
      %add3A_189 = arith.addf %add3A_177, %mul3A_188 : vector<16xf32>
      %mul3A_190 = arith.constant 16 : i32
      %mul3A_191 = arith.muli %scan3A_40, %mul3A_190 : i32
      %add3A_192 = arith.constant 12800 : i32
      %add3A_193 = arith.addi %add3A_192, %mul3A_191 : i32
      %get3A_194 = arith.index_cast %add3A_193 : i32 to index
      %get3A_195 = tpu.vector_load %arg9[%get3A_194] {strides = array<i32>} : memref<13312xf32, #tpu.memory_space<vmem>>, vector<16xf32>,
      %get3A_196 = vector.shape_cast %get3A_195 : vector<16xf32> to vector<16xf32>
      %get3A_197 = arith.index_cast %add3A_193 : i32 to index
      %get3A_198 = tpu.vector_load %arg8[%get3A_197] {strides = array<i32>} : memref<13312xf32, #tpu.memory_space<vmem>>, vector<16xf32>,
      %get3A_199 = vector.shape_cast %get3A_198 : vector<16xf32> to vector<16xf32>
      %mul3A_200 = arith.mulf %get3A_196, %get3A_199 : vector<16xf32>
      %add3A_201 = arith.addf %add3A_189, %mul3A_200 : vector<16xf32>
      %neg3A = arith.constant 0.000000e+00 : f32
      %neg3A_202 = vector.broadcast %neg3A : f32 to vector<16xf32>
      %neg3A_203 = arith.subf %neg3A_202, %add3A_201 : vector<16xf32>
      %exp3A = math.exp %neg3A_203 : vector<16xf32>
      %add3A_204 = arith.constant 1.000000e+00 : f32
      %add3A_205 = vector.broadcast %add3A_204 : f32 to vector<16xf32>
      %add3A_206 = arith.addf %add3A_205, %exp3A : vector<16xf32>
      %div3A = arith.constant 1.000000e+00 : f32
      %div3A_207 = vector.broadcast %div3A : f32 to vector<16xf32>
      %div3A_208 = arith.divf %div3A_207, %add3A_206 : vector<16xf32>
      %mul3A_209 = arith.constant 16 : i32
      %mul3A_210 = arith.muli %scan3A_40, %mul3A_209 : i32
      %swap3A = arith.index_cast %mul3A_210 : i32 to index
      %swap3A_211 = tpu.vector_load %arg12[%swap3A] {strides = array<i32>} : memref<512xf32, #tpu.memory_space<vmem>>, vector<16xf32>,
      %swap3A_212 = vector.shape_cast %swap3A_211 : vector<16xf32> to vector<16xf32>
      %swap3A_213 = vector.shape_cast %div3A_208 : vector<16xf32> to vector<16xf32>
      tpu.vector_store %arg12[%swap3A], %swap3A_213 {strides = array<i32>} : memref<512xf32, #tpu.memory_space<vmem>>, vector<16xf32>,
    }
    %scan3A_37 = arith.constant 32 : i32
    %mul3A_38 = arith.constant 512 : i32
    %mul3A_39 = arith.muli %add3A, %mul3A_38 : i32
    "tpu.region"() ({
      %run_scoped3A = tpu.sem_alloc : memref<!tpu.dma_semaphore, #tpu.memory_space<semaphore_mem>>
      %dma_start3A_40 = tpu.memref_slice %arg6[%mul3A_39] : memref<16384xf32, #tpu.memory_space<hbm>> -> memref<512xf32, #tpu.memory_space<hbm>>
      %dma_start3A_41 = tpu.memref_slice %arg6[%mul3A_39] : memref<16384xf32, #tpu.memory_space<hbm>> -> memref<512xf32, #tpu.memory_space<hbm>>
      tpu.enqueue_dma source(%arg12 : memref<512xf32, #tpu.memory_space<vmem>>) target(%dma_start3A_41 : memref<512xf32, #tpu.memory_space<hbm>>) target_semaphore(%run_scoped3A : memref<!tpu.dma_semaphore, #tpu.memory_space<semaphore_mem>>)
      %dma_wait3A_42 = tpu.memref_slice %arg6[%mul3A_39] : memref<16384xf32, #tpu.memory_space<hbm>> -> memref<512xf32, #tpu.memory_space<hbm>>
      %dma_wait3A_43 = tpu.memref_slice %arg6[%mul3A_39] : memref<16384xf32, #tpu.memory_space<hbm>> -> memref<512xf32, #tpu.memory_space<hbm>>
      tpu.wait_dma2 semaphore(%run_scoped3A : memref<!tpu.dma_semaphore, #tpu.memory_space<semaphore_mem>>) src(%arg12 : memref<512xf32, #tpu.memory_space<vmem>>) dst(%dma_wait3A_43 : memref<512xf32, #tpu.memory_space<hbm>>)
      tpu.yield
    }) : () -> ()
    return
  }
}

</mosaic_0001>

<sc_bundles>
// kernel: kernel.3.cloned.1.call-start
scs
__scs_entry_jumppad:
0x0: {  	(pc) =	sbr.rel $0x88, $3  }
0x1: {  	(tag) =	ssettag $0x0;
	lr =	simm.s32 $0x1  }
0x2: {  	[smem:$0x3F9D] =	sst lr;
	_ =	strace $0xD0000000  }
0x3: {  	_ = 	snop  }
0x4: {  	_ = 	snop  }
0x5: {  	_ = 	snop  }
0x6: {  	_ = 	snop  }
0x7: {  	_ = 	snop  }
__scs_overlays_trampoline_lowered:
0x8: {  	[smem:$0x3FAC] =	sst s0  }
0x9: {  	[smem:$0x3FAD] =	sst s1  }
0xa: {  	[smem:$0x3FAE] =	sst s2  }
0xb: {  	[smem:$0x3FAF] =	sst s3  }
0xc: {  	[smem:$0x3FB0] =	sst s4  }
0xd: {  	[smem:$0x3FB1] =	sst s5  }
0xe: {  	[smem:$0x3FB2] =	sst s6  }
0xf: {  	[smem:$0x3FB3] =	sst s7  }
0x10: {  	[smem:$0x3FB4] =	sst s8  }
0x11: {  	[smem:$0x3FB5] =	sst s9;
	s0 =	simm.s32 @!p0 $0x0  }
0x12: {  	s1 =	sld [smem:$0x3F9B];
	s0 =	simm.s32 @p0 $0x1  }
0x13: {  	[smem:$0x3FB6] =	sst s0;
	s0 =	simm.s32 @!p1 $0x0  }
0x14: {  	s2 =	sld [smem:$0x3F9A];
	s0 =	simm.s32 @p1 $0x1  }
0x15: {  	[smem:$0x3FB7] =	sst s0;
	s0 =	simm.s32 @!p2 $0x0  }
0x16: {  	s3 =	sld [smem:$0x3FDB];
	s0 =	simm.s32 @p2 $0x1  }
0x17: {  	s4 =	simm.s32 $0x1BF5;
	[smem:$0x3FB9] =	sst s0  }
0x18: {  	s0 =	sld [smem:$0x3F9C];
	_ =	swait.ge [sflag:s4], $0x0  }
0x19: {  	s7 =	sld [smem:$0x3F9D]  }
0x1a: {  	s8 =	sadd.s32 $0xFFFFE003, lr  }
0x1b: {  	s9 =	sadd.s32 $0xFFFFFEF7, lr;
	s5 =	simm.s32 $0xFFFFFFFF;
	p2 =	slt.u32 s8, $0xFFFFF086  }
0x1c: {  	p1 =	slt.u32 s9, $0xF7A;
	s5 =	simm.s32 @!p2 $0x0  }
0x1d: {  	s5 =	simm.s32 @p1 $0x1;
	p0 =	seq.s32 s7, s2  }
0x1e: {  	s7 =	smul.u32 @!p0 $0xF7A, s2;
	p2 =	seq.s32 @!p0 s5, $0x0  }
0x1f: {  	s9 =	smul.u32 $0xF7A, s1;
	s8 =	simm.s32 @!p0 $0x1BF5;
	p2 =	por !p2, p0  }
0x20: {  	[sflag:s8] =	ssyncset.s32 @!p0 $0xFFFFF086;
	s6 =	sadd.s32 @!p0 s3, s7;
	s7 =	simm.s32 @!p0 $0x108  }
0x21: {  	s3 =	sadd.s32 s3, s9;
	s6 =	sadd.s32 @!p0 $0x88, s6;
	s7 =	simm.s32 @p2 $0x1082  }
0x22: {  	[simem:s7], [sflag:s8] =	dma.local @!p0 [hbm:s6], $0xF7A  }
0x23: {  	s9 =	sor.u32 $0xD0000000, s2;
	s6 =	simm.s32 $0x108;
	_ =	swait.ge @!p0 [sflag:s8], $0x0  }
0x24: {  	s3 =	sadd.s32 $0x88, s3;
	s6 =	simm.s32 @!p1 $0x1082;
	[sflag:s4] =	ssyncset.s32 $0xFFFFF086  }
0x25: {  	[simem:s6], [sflag:s4] =	dma.local [hbm:s3], $0xF7A  }
0x26: {  	[smem:$0x3F9D] =	sst s1;
	(tag) =	ssettag s2;
	_ =	strace s9  }
0x27: {  	s1 =	sld [smem:$0x3FAD]  }
0x28: {  	s2 =	sld [smem:$0x3FAE]  }
0x29: {  	s4 =	sld [smem:$0x3FB0]  }
0x2a: {  	p0 =	seq.s32 s5, $0x0;
	s5 =	sld [smem:$0x3FB1]  }
0x2b: {  	s6 =	sld [smem:$0x3FB2]  }
0x2c: {  	s7 =	sld [smem:$0x3FB3]  }
0x2d: {  	s3 =	simm.s32 $0x108;
	s8 =	sld [smem:$0x3FB4]  }
0x2e: {  	s3 =	simm.s32 @!p0 $0x1082;
	s9 =	sld [smem:$0x3FB5]  }
0x2f: {  	lr =	sadd.s32 s0, s3;
	s0 =	sld [smem:$0x3FAC]  }
0x30: {  	s3 =	sld [smem:$0x3FAF]  }
0x31: {  	[smem:$0x3FB8] =	sst s10  }
0x32: {  	s10 =	sld [smem:$0x3FB6];
	_ =	sdelay $0x3  }
0x33: {  	p0 =	seq.s32 s10, $0x1;
	s10 =	sld [smem:$0x3FB8];
	_ =	sdelay $0x3  }
0x34: {  	[smem:$0x3FB8] =	sst s10  }
0x35: {  	s10 =	sld [smem:$0x3FB7];
	_ =	sdelay $0x3  }
0x36: {  	p1 =	seq.s32 s10, $0x1;
	s10 =	sld [smem:$0x3FB8];
	_ =	sdelay $0x3  }
0x37: {  	[smem:$0x3FB8] =	sst s10  }
0x38: {  	s10 =	sld [smem:$0x3FB9]  }
0x39: {  	_ = 	snop;
	(pc) =	sbr.ind lr, $3  }
0x3a: {  	_ = 	snop  }
0x3b: {  	_ = 	snop  }
0x3c: {  	p2 =	seq.s32 s10, $0x1;
	s10 =	sld [smem:$0x3FB8]  }
0x3d: {  	_ =	shalt  }
0x3e: {  	_ =	shalt  }
0x3f: {  	_ =	shalt  }
0x40: {  	_ =	shalt  }
0x41: {  	_ =	shalt  }
0x42: {  	_ =	shalt  }
0x43: {  	_ =	shalt  }
0x44: {  	_ =	shalt  }
0x45: {  	_ =	shalt  }
0x46: {  	_ =	shalt  }
0x47: {  	_ =	shalt  }
0x48: {  	_ =	shalt  }
0x49: {  	_ =	shalt  }
0x4a: {  	_ =	shalt  }
0x4b: {  	_ =	shalt  }
0x4c: {  	_ =	shalt  }
0x4d: {  	_ =	shalt  }
0x4e: {  	_ =	shalt  }
0x4f: {  	_ =	shalt  }
0x50: {  	_ =	shalt  }
0x51: {  	_ =	shalt  }
0x52: {  	_ =	shalt  }
0x53: {  	_ =	shalt  }
0x54: {  	_ =	shalt  }
0x55: {  	_ =	shalt  }
0x56: {  	_ =	shalt  }
0x57: {  	_ =	shalt  }
0x58: {  	_ =	shalt  }
0x59: {  	_ =	shalt  }
0x5a: {  	_ =	shalt  }
0x5b: {  	_ =	shalt  }
0x5c: {  	_ =	shalt  }
0x5d: {  	_ =	shalt  }
0x5e: {  	_ =	shalt  }
0x5f: {  	_ =	shalt  }
0x60: {  	_ =	shalt  }
0x61: {  	_ =	shalt  }
0x62: {  	_ =	shalt  }
0x63: {  	_ =	shalt  }
0x64: {  	_ =	shalt  }
0x65: {  	_ =	shalt  }
0x66: {  	_ =	shalt  }
0x67: {  	_ =	shalt  }
0x68: {  	_ =	shalt  }
0x69: {  	_ =	shalt  }
0x6a: {  	_ =	shalt  }
0x6b: {  	_ =	shalt  }
0x6c: {  	_ =	shalt  }
0x6d: {  	_ =	shalt  }
0x6e: {  	_ =	shalt  }
0x6f: {  	_ =	shalt  }
0x70: {  	_ =	shalt  }
0x71: {  	_ =	shalt  }
0x72: {  	_ =	shalt  }
0x73: {  	_ =	shalt  }
0x74: {  	_ =	shalt  }
0x75: {  	_ =	shalt  }
0x76: {  	_ =	shalt  }
0x77: {  	_ =	shalt  }
0x78: {  	_ =	shalt  }
0x79: {  	_ =	shalt  }
0x7a: {  	_ =	shalt  }
0x7b: {  	_ =	shalt  }
0x7c: {  	_ =	shalt  }
0x7d: {  	_ =	shalt  }
0x7e: {  	_ =	shalt  }
0x7f: {  	_ =	shalt  }
0x80: {  	_ =	shalt  }
0x81: {  	_ =	shalt  }
0x82: {  	_ =	shalt  }
0x83: {  	_ =	shalt  }
0x84: {  	_ =	shalt  }
0x85: {  	_ =	shalt  }
0x86: {  	_ =	shalt  }
0x87: {  	_ =	shalt  }
.Lfunc_end0:
.L_simem_size_0:
called_computation_lowered:
.L_overlay_start_0:
0x88: {  	s2 =	sld [smem:$0x3FD9]  }
0x89: {  	s3 =	sld [smem:$0x3FFE];
	_ =	sdelay $0x1  }
0x8a: {  	s1 =	srdreg.scid  }
0x8b: {  	s0 =	sand.u32 $0x1, s1  }
0x8c: {  	s17 =	sshll.u32 s0, $0xA;
	s2 =	sadd.s32 s3, s2  }
0x8d: {  	s2 =	sadd.s32 s2, s17  }
0x8e: {  	[smem:$0x3FC4] =	sst s2  }
0x8f: {  	_ = 	snop  }
0x90: {  	s2 =	sld [smem:$0x3FC7]  }
0x91: {  	s18 =	sld [smem:$0x3FD0];
	(tm) =	ssettm $0x1  }
0x92: {  	s4 =	sld [smem:$0x3FFB];
	_ =	sdelay $0x3  }
0x93: {  	_ =	strace s4  }
0x94: {  	s4 =	sld [smem:$0x3FFC];
	_ =	sdelay $0x3  }
0x95: {  	_ =	strace s4  }
0x96: {  	s4 =	sld [smem:$0x3FFD];
	_ =	sdelay $0x3  }
0x97: {  	_ =	strace s4  }
0x98: {  	_ =	strace $0x8FFFFFFF  }
0x99: {  	s19 =	sld [smem:$0x3FDB];
	_ =	sdelay $0x1  }
0x9a: {  	s5 =	simm.s32 $_scs_section_size  }
0x9b: {  	s6 =	simm.s32 $_size__tile_overlayer_lowered;
	s7 =	simm.s32 $_tile_overlayer_lowered  }
0x9c: {  	s22 =	simm.s32 $0x1BFF;
	s21 =	sshll.u32 s7, $0x1;
	s4 =	sadd.s32 s5, s19  }
0x9d: {  	s8 =	simm.s32 $0x0;
	s20 =	sshll.u32 s6, $0x1;
	s6 =	sadd.s32 s21, s4  }
0x9e: {  	[timem:s8], [sflag:s22] =	dma.local [hbm:s6], s20  }
0x9f: {  	_ =	swait.ge [sflag:s22], s20  }
0xa0: {  	s5 =	ssub.s32 $0x0, s20;
	[sflag:s22] =	ssyncset.done $0x0  }
0xa1: {  	[sflag:s22] =	ssyncadd.s32 s5;
	_ =	sdelay $0x1  }
0xa2: {  	s23 =	simm.s32 $0x1B8B  }
0xa3: {  	_ =	swait.ge [sflag:s23], $0x1  }
0xa4: {  	[sflag:s23] =	ssyncset.done $0x0  }
0xa5: {  	s25 =	simm.s32 $0x1B8E;
	s24 =	sld [smem:$0x3FFE];
	[sflag:s23] =	ssyncadd.s32 $0xFFFFFFFF  }
0xa6: {  	s26 =	simm.s32 $execute0_lowered;
	[smem:$0x3FD2] =	sst s25  }
0xa7: {  	s6 =	sshll.u32 s26, $0x1;
	_ =	strace $0x80000046;
	[dreg:$0x1] =	wrdreg $0xFFFFFFFF  }
0xa8: {  	s28 =	simm.s32 $_size_execute0_lowered;
	s4 =	sadd.s32 s4, s6;
	[dreg:$0x0] =	wrdreg $0x0  }
0xa9: {  	s6 =	sshll.u32 s28, $0x1;
	[dreg:$0x2] =	wrdreg s4  }
0xaa: {  	[dreg:$0x3] =	wrdreg s6  }
0xab: {  	[dreg:$0x4] =	wrdreg $0xC0  }
0xac: {  	_ =	task [dreg:s8], $0x5FFFF  }
0xad: {  	[dreg:$0x1] =	wrdreg $0xFFFFFFFF  }
0xae: {  	[dreg:$0x0] =	wrdreg $0x60  }
0xaf: {  	[dreg:$0x2] =	wrdreg s24  }
0xb0: {  	[dreg:$0x3] =	wrdreg s2  }
0xb1: {  	[dreg:$0x4] =	wrdreg s18  }
0xb2: {  	[dreg:$0x5] =	wrdreg $0x9  }
0xb3: {  	_ =	task.clear_ibuf [dreg:s8], $0x6FFFF;
	_ =	strace $0x90000046  }
0xb4: {  	s29 =	simm.s32 $0x9;
	_ =	strace $0x80000048  }
0xb5: {  	_ =	swait.ge [sflag:s29], $0x1  }
0xb6: {  	[sflag:s29] =	ssyncadd.s32 $0xFFFFFFFF  }
0xb7: {  	_ =	strace $0x90000048  }
0xb8: {  	_ =	sfence  }
0xb9: {  	s30 =	sld [smem:$0x0];
	_ =	sdelay $0x2  }
0xba: {  	s31 =	sshll.u32 s1, $0xD;
	s1 =	sshrl.u32 s1, $0x2  }
0xbb: {  	s3 =	sand.u32 $0x4000, s31;
	s1 =	sadd.s32 s1, s30  }
0xbc: {  	s0 =	sor.u32 s3, s0;
	s1 =	sshll.u32 s1, $0x11  }
0xbd: {  	s0 =	sor.u32 s1, s0  }
0xbe: {  	s0 =	sadd.s32 $0x8F2B, s0  }
0xbf: {  	[sflag:s0] =	ssyncadd.remote.s32 $0x1  }
0xc0: {  	_ =	sfence.sel $0xFFFF  }
0xc1: {  	[dreg:$0x0] =	wrdreg $0xFFFFFFFF;
	(pc) =	sbr.abs _section_cstart, $3  }
0xc2: {  	[dreg:$0x1] =	wrdreg $0xFFFFFFFF  }
0xc3: {  	_ =	task.clear_ibuf [dreg:s8], $0x2FFFF;
	_ =	strace $0x9FFFFFFF  }
0xc4: {  	(tm) =	ssettm $0x7FFFFFFF  }
0xc5: {  	_ =	shalt  }
tec
execute0_lowered:
.L_overlay_start_1:
0x0: {  	(tag) =	ssettag $0x1  }
0x1: {  	s4 =	rddreg [dreg:$0x0]  }
0x2: {  	s2 =	rddreg [dreg:$0x1];
	s1 =	srdreg.scid  }
0x3: {  	s0 =	stileid.u32;
	s7 =	rddreg [dreg:$0x2];
	s3 =	simm.s32 $0x0  }
0x4: {  	s10 =	simm.s32 $0x1A00;
	s11 =	simm.s32 $0x6800;
	s12 =	simm.s32 $0x8200  }
0x5: {  	s13 =	simm.s32 $0x3400;
	s14 =	simm.s32 $0x9C00;
	s15 =	simm.s32 $0x1  }
0x6: {  	s16 =	simm.s32 $0x2;
	s17 =	simm.s32 $0x9E80;
	s18 =	simm.s32 $0x0  }
0x7: {  	s5 =	sand.u32 $0x1, s1;
	s6 =	sshll.u32 s0, $0x1;
	s1 =	rddreg [dreg:$0x3]  }
0x8: {  	[smem:$0x7FF] =	sst s3;
	s8 =	sor.u32 s5, s6;
	s5 =	ssub.s32 $0x2, s5  }
0x9: {  	s6 =	smul.u32 $0x680, s8;
	s9 =	sshrl.u32 s5, $0x1;
	s8 =	sshll.u32 s8, $0x6  }
0xa: {  	_ =	strace $0x80000047;
	s9 =	ssub.s32 s5, s9;
	s7 =	sadd.s32 s7, s8  }
0xb: {  	s6 =	sadd.s32 s6, s4;
	s4 =	sadd.s32 $0x1A600, s4;
	s8 =	smax.u32 s9, $0x1  }
0xc: {  	s9 =	simm.s32 $0x3;
	s5 =	sadd.s32 $0x600, s6;
	s6 =	sadd.s32 $0xD600, s6  }
.LBB2_1:
0xd: {  	[tilespmem:s3], [sflag:$0x3] =	stream.linear.gather [hbm4b:s5+s3], $0x3400, $0x38;
	[tilespmem:$0xA080] =	vst v63  }
0xe: {  	_ =	swait.ge [sflag:s9], $0x3400  }
0xf: {  	[sflag:s9] =	ssyncset.done $0x0  }
0x10: {  	[sflag:s9] =	ssyncadd.s32 $0xFFFFCC00  }
0x11: {  	[tilespmem:s11], [sflag:$0x1] =	stream.indirect.gather [hbm4b:s2+s10], $0x1, s3, s10, $0xb8;
	[tilespmem:$0xA080] =	vst v63  }
0x12: {  	_ = 	snop  }
0x13: {  	[tilespmem:s12], [sflag:$0x2] =	stream.indirect.gather [hbm4b:s2+s10], $0x1, s10, s10, $0xb8;
	[tilespmem:$0xA080] =	vst v63  }
0x14: {  	_ = 	snop  }
0x15: {  	[tilespmem:s13], [sflag:$0x3] =	stream.linear.gather [hbm4b:s6+s3], $0x3400, $0x38;
	[tilespmem:$0xA080] =	vst v63  }
0x16: {  	_ =	swait.ge [sflag:s9], $0x3400  }
0x17: {  	[sflag:s9] =	ssyncset.done $0x0  }
0x18: {  	[sflag:s9] =	ssyncadd.s32 $0xFFFFCC00  }
0x19: {  	[tilespmem:s14], [sflag:$0x3] =	stream.linear.gather [hbm4b:s4+s3], $0x80, $0x38;
	[tilespmem:$0xA080] =	vst v63  }
0x1a: {  	_ =	swait.ge [sflag:s9], $0x80  }
0x1b: {  	[sflag:s9] =	ssyncset.done $0x0  }
0x1c: {  	[sflag:s9] =	ssyncadd.s32 $0xFFFFFF80  }
0x1d: {  	v0 =	vld [tilespmem:$0x9C00];
	_ =	swait.ge [sflag:s15], $0x1A00  }
0x1e: {  	[sflag:s15] =	ssyncset.done $0x0  }
0x1f: {  	s19 =	simm.s32 $0x0;
	[sflag:s15] =	ssyncadd.s32 $0xFFFFE600  }
0x20: {  	v1 =	vld [tilespmem:s19+$0x6800]  }
0x21: {  	v2 =	vld [tilespmem:s19+$0x3400]  }
0x22: {  	v3 =	vld [tilespmem:s19+$0x6A00]  }
0x23: {  	v4 =	vld [tilespmem:s19+$0x3600]  }
0x24: {  	v5 =	vld [tilespmem:s19+$0x6C00]  }
0x25: {  	v6 =	vld [tilespmem:s19+$0x3800]  }
0x26: {  	v7 =	vld [tilespmem:s19+$0x3A00];
	v1 =	vmul.f32 v2, v1  }
0x27: {  	v2 =	vld [tilespmem:s19+$0x6E00]  }
0x28: {  	v8 =	vld [tilespmem:s19+$0x3C00];
	v3 =	vmul.f32 v4, v3;
	v1 =	vadd.f32 v1, v0  }
0x29: {  	v4 =	vld [tilespmem:s19+$0x7000]  }
0x2a: {  	v1 =	vadd.f32 v3, v1;
	v3 =	vmul.f32 v6, v5;
	v5 =	vld [tilespmem:s19+$0x7200]  }
0x2b: {  	v6 =	vld [tilespmem:s19+$0x3E00]  }
0x2c: {  	v2 =	vmul.f32 v7, v2;
	v7 =	vld [tilespmem:s19+$0x4000];
	v1 =	vadd.f32 v3, v1  }
0x2d: {  	v3 =	vld [tilespmem:s19+$0x7400]  }
0x2e: {  	v1 =	vadd.f32 v2, v1;
	v2 =	vmul.f32 v8, v4;
	v4 =	vld [tilespmem:s19+$0x7600]  }
0x2f: {  	v8 =	vld [tilespmem:s19+$0x4200]  }
0x30: {  	v1 =	vadd.f32 v2, v1;
	v2 =	vmul.f32 v6, v5;
	v5 =	vld [tilespmem:s19+$0x7800]  }
0x31: {  	v6 =	vld [tilespmem:s19+$0x4400]  }
0x32: {  	v1 =	vadd.f32 v2, v1;
	v2 =	vmul.f32 v7, v3;
	v3 =	vld [tilespmem:s19+$0x7A00]  }
0x33: {  	v7 =	vld [tilespmem:s19+$0x4600]  }
0x34: {  	v9 =	vld [tilespmem:s19+$0x4800];
	v1 =	vadd.f32 v2, v1;
	v2 =	vmul.f32 v8, v4  }
0x35: {  	v8 =	vld [tilespmem:s19+$0x7C00]  }
0x36: {  	v4 =	vld [tilespmem:s19+$0x4A00];
	v5 =	vmul.f32 v6, v5;
	v2 =	vadd.f32 v2, v1  }
0x37: {  	v1 =	vld [tilespmem:s19+$0x7E00]  }
0x38: {  	v7 =	vmul.f32 v7, v3;
	v6 =	vadd.f32 v5, v2;
	v2 =	vld [tilespmem:s19+$0x8000]  }
0x39: {  	s20 =	simm.s32 $0x10;
	v5 =	vld [tilespmem:s19+$0x4C00]  }
0x3a: {  	s21 =	simm.s32 $0x80;
	v3 =	vld [tilespmem:s20+$0x6800];
	v6 =	vadd.f32 v7, v6;
	v7 =	vmul.f32 v9, v8  }
.LBB2_2:
0x3b: {  	p0 =	sne.s32 s21, $0x7C0;
	v8 =	vld [tilespmem:s20+$0x3400]  }
0x3c: {  	v9 =	vld [tilespmem:s20+$0x6A00];
	v6 =	vadd.f32 v7, v6;
	v1 =	vmul.f32 v4, v1  }
0x3d: {  	v4 =	vld [tilespmem:s20+$0x3600]  }
0x3e: {  	v7 =	vld [tilespmem:s20+$0x6C00];
	v1 =	vadd.f32 v1, v6;
	v2 =	vmul.f32 v5, v2  }
0x3f: {  	v5 =	vld [tilespmem:s20+$0x3800]  }
0x40: {  	v3 =	vmul.f32 v8, v3;
	v6 =	vld [tilespmem:s20+$0x6E00];
	v1 =	vadd.f32 v2, v1  }
0x41: {  	v2 =	vld [tilespmem:s20+$0x3A00]  }
0x42: {  	v3 =	vadd.f32 v3, v0;
	v4 =	vmul.f32 v4, v9;
	v8 =	vld [tilespmem:s20+$0x7000];
	[tilespmem:s19+$0x9C80] =	vst v1;
	s19 =	smov.u32 s20  }
0x43: {  	v1 =	vld [tilespmem:s19+$0x3C00]  }
0x44: {  	v3 =	vadd.f32 v4, v3;
	v4 =	vmul.f32 v5, v7;
	v5 =	vld [tilespmem:s19+$0x7200]  }
0x45: {  	v7 =	vld [tilespmem:s19+$0x3E00]  }
0x46: {  	v3 =	vadd.f32 v4, v3;
	v2 =	vmul.f32 v2, v6;
	v4 =	vld [tilespmem:s19+$0x7400]  }
0x47: {  	v6 =	vld [tilespmem:s19+$0x4000]  }
0x48: {  	v2 =	vadd.f32 v2, v3;
	v1 =	vmul.f32 v1, v8;
	v3 =	vld [tilespmem:s19+$0x7600]  }
0x49: {  	v8 =	vld [tilespmem:s19+$0x4200]  }
0x4a: {  	v1 =	vadd.f32 v1, v2;
	v2 =	vmul.f32 v7, v5;
	v5 =	vld [tilespmem:s19+$0x7800]  }
0x4b: {  	v7 =	vld [tilespmem:s19+$0x4400]  }
0x4c: {  	v1 =	vadd.f32 v2, v1;
	v2 =	vmul.f32 v6, v4;
	v6 =	vld [tilespmem:s19+$0x7A00]  }
0x4d: {  	v9 =	vld [tilespmem:s19+$0x4600]  }
0x4e: {  	v1 =	vadd.f32 v2, v1;
	v2 =	vmul.f32 v8, v3;
	v8 =	vld [tilespmem:s19+$0x7C00]  }
0x4f: {  	v10 =	vld [tilespmem:s19+$0x4800]  }
.Ltmp0:
0x50: {  	v2 =	vadd.f32 v2, v1;
	v3 =	vmul.f32 v7, v5;
	v1 =	vld [tilespmem:s19+$0x7E00];
	(pc) =	sbr.rel @p0 .LBB2_2-.Ltmp0, $4  }
0x51: {  	v4 =	vld [tilespmem:s19+$0x4A00]  }
0x52: {  	v7 =	vadd.f32 v3, v2;
	v6 =	vmul.f32 v9, v6;
	v2 =	vld [tilespmem:s19+$0x8000]  }
0x53: {  	s20 =	sshra.s32 s21, $0x2;
	v5 =	vld [tilespmem:s19+$0x4C00]  }
0x54: {  	s21 =	sadd.s32 $0x40, s21;
	v3 =	vld [tilespmem:s20+$0x6800];
	v6 =	vadd.f32 v6, v7;
	v7 =	vmul.f32 v10, v8  }
0x55: {  	v8 =	vld [tilespmem:s20+$0x3400]  }
0x56: {  	v9 =	vld [tilespmem:s20+$0x6A00];
	v6 =	vadd.f32 v7, v6;
	v1 =	vmul.f32 v4, v1  }
0x57: {  	v4 =	vld [tilespmem:s20+$0x3600]  }
0x58: {  	v7 =	vld [tilespmem:s20+$0x6C00];
	v1 =	vadd.f32 v1, v6;
	v2 =	vmul.f32 v5, v2  }
0x59: {  	v5 =	vld [tilespmem:s20+$0x3800]  }
0x5a: {  	v6 =	vld [tilespmem:s20+$0x6E00];
	v3 =	vmul.f32 v8, v3;
	v1 =	vadd.f32 v2, v1  }
0x5b: {  	v2 =	vld [tilespmem:s20+$0x3A00]  }
0x5c: {  	v8 =	vld [tilespmem:s20+$0x7000];
	v0 =	vadd.f32 v3, v0;
	v3 =	vmul.f32 v4, v9;
	[tilespmem:s19+$0x9C80] =	vst v1  }
0x5d: {  	v1 =	vld [tilespmem:s20+$0x3C00]  }
0x5e: {  	v4 =	vld [tilespmem:s20+$0x7200];
	v0 =	vadd.f32 v3, v0;
	v3 =	vmul.f32 v5, v7  }
0x5f: {  	v5 =	vld [tilespmem:s20+$0x3E00]  }
0x60: {  	v2 =	vmul.f32 v2, v6;
	v6 =	vld [tilespmem:s20+$0x4000];
	v0 =	vadd.f32 v3, v0  }
0x61: {  	v3 =	vld [tilespmem:s20+$0x7400]  }
0x62: {  	v7 =	vld [tilespmem:s20+$0x4200];
	v0 =	vadd.f32 v2, v0;
	v1 =	vmul.f32 v1, v8  }
0x63: {  	v2 =	vld [tilespmem:s20+$0x7600]  }
0x64: {  	v0 =	vadd.f32 v1, v0;
	v1 =	vmul.f32 v5, v4;
	v4 =	vld [tilespmem:s20+$0x7800]  }
0x65: {  	v5 =	vld [tilespmem:s20+$0x4400]  }
0x66: {  	v0 =	vadd.f32 v1, v0;
	v1 =	vmul.f32 v6, v3;
	v3 =	vld [tilespmem:s20+$0x7A00]  }
0x67: {  	v6 =	vld [tilespmem:s20+$0x4600]  }
0x68: {  	v0 =	vadd.f32 v1, v0;
	v1 =	vmul.f32 v7, v2;
	v2 =	vld [tilespmem:s20+$0x7C00]  }
0x69: {  	v7 =	vld [tilespmem:s20+$0x4800]  }
0x6a: {  	v0 =	vadd.f32 v1, v0;
	v1 =	vmul.f32 v5, v4;
	v4 =	vld [tilespmem:s20+$0x7E00]  }
0x6b: {  	v5 =	vld [tilespmem:s20+$0x4A00]  }
0x6c: {  	v0 =	vadd.f32 v1, v0;
	v1 =	vmul.f32 v6, v3;
	v3 =	vld [tilespmem:s20+$0x8000]  }
0x6d: {  	v6 =	vld [tilespmem:s20+$0x4C00]  }
0x6e: {  	v0 =	vadd.f32 v1, v0;
	v1 =	vmul.f32 v7, v2;
	_ =	sdelay $0x1  }
0x6f: {  	v0 =	vadd.f32 v1, v0;
	v1 =	vmul.f32 v5, v4;
	_ =	sdelay $0x1  }
0x70: {  	v0 =	vadd.f32 v1, v0;
	v1 =	vmul.f32 v6, v3;
	_ =	sdelay $0x1  }
0x71: {  	v0 =	vadd.f32 v1, v0;
	_ =	sdelay $0x1  }
0x72: {  	[tilespmem:s20+$0x9C80] =	vst v0  }
0x73: {  	_ =	swait.ge [sflag:s16], $0x1A00  }
0x74: {  	[sflag:s16] =	ssyncset.done $0x0  }
0x75: {  	s20 =	simm.s32 $0x0;
	[sflag:s16] =	ssyncadd.s32 $0xFFFFE600  }
0x76: {  	v0 =	vld [tilespmem:s20+$0x9C80]  }
0x77: {  	v1 =	vld [tilespmem:s20+$0x8200]  }
0x78: {  	v2 =	vld [tilespmem:s20+$0x4E00]  }
0x79: {  	v3 =	vld [tilespmem:s20+$0x8400]  }
0x7a: {  	v4 =	vld [tilespmem:s20+$0x5000]  }
0x7b: {  	v5 =	vld [tilespmem:s20+$0x8600]  }
0x7c: {  	v6 =	vld [tilespmem:s20+$0x5200]  }
0x7d: {  	v7 =	vld [tilespmem:s20+$0x8800]  }
0x7e: {  	v8 =	vld [tilespmem:s20+$0x5400]  }
0x7f: {  	v55 =	vld [tilespmem:s20+$0x8A00];
	v1 =	vmul.f32 v2, v1  }
0x80: {  	v10 =	vld [tilespmem:s20+$0x5600]  }
0x81: {  	v11 =	vld [tilespmem:s20+$0x5800];
	v0 =	vadd.f32 v1, v0;
	v1 =	vmul.f32 v4, v3  }
0x82: {  	v56 =	vld [tilespmem:s20+$0x9400]  }
0x83: {  	v57 =	vld [tilespmem:s20+$0x6000];
	v0 =	vadd.f32 v1, v0;
	v1 =	vmul.f32 v6, v5  }
0x84: {  	v2 =	vld [tilespmem:s20+$0x8C00]  }
0x85: {  	v3 =	vld [tilespmem:s20+$0x8E00];
	v0 =	vadd.f32 v1, v0;
	v1 =	vmul.f32 v8, v7  }
0x86: {  	v4 =	vld [tilespmem:s20+$0x5A00]  }
0x87: {  	v5 =	vld [tilespmem:s20+$0x9000];
	v0 =	vadd.f32 v1, v0;
	v1 =	vmul.f32 v10, v55  }
0x88: {  	v6 =	vld [tilespmem:s20+$0x5C00]  }
0x89: {  	v7 =	vld [tilespmem:s20+$0x9200];
	v0 =	vadd.f32 v1, v0;
	v1 =	vmul.f32 v11, v2  }
0x8a: {  	v8 =	vld [tilespmem:s20+$0x5E00]  }
0x8b: {  	s19 =	simm.s32 $0x10;
	v58 =	vld [tilespmem:s20+$0x6200];
	v0 =	vadd.f32 v1, v0;
	v1 =	vmul.f32 v4, v3  }
0x8c: {  	v59 =	vld [tilespmem:s19+$0x4E00]  }
0x8d: {  	v60 =	vld [tilespmem:s19+$0x8400];
	v0 =	vadd.f32 v1, v0;
	v1 =	vmul.f32 v6, v5  }
0x8e: {  	v2 =	vld [tilespmem:s20+$0x9600]  }
0x8f: {  	v3 =	vld [tilespmem:s20+$0x9800];
	v0 =	vadd.f32 v1, v0;
	v1 =	vmul.f32 v8, v7  }
0x90: {  	v4 =	vld [tilespmem:s20+$0x6400]  }
0x91: {  	v5 =	vld [tilespmem:s20+$0x9A00];
	v0 =	vadd.f32 v1, v0;
	v1 =	vmul.f32 v57, v56  }
0x92: {  	v6 =	vld [tilespmem:s20+$0x6600]  }
0x93: {  	v61 =	vld [tilespmem:s19+$0x8600];
	v0 =	vadd.f32 v1, v0;
	v1 =	vmul.f32 v58, v2  }
0x94: {  	v8 =	vld [tilespmem:s19+$0x8200]  }
0x95: {  	v7 =	vld [tilespmem:s19+$0x9C80];
	v0 =	vadd.f32 v1, v0;
	v1 =	vmul.f32 v4, v3  }
0x96: {  	v2 =	vld [tilespmem:s19+$0x5000]  }
0x97: {  	v62 =	vld [tilespmem:s19+$0x8E00];
	v0 =	vadd.f32 v1, v0;
	v1 =	vmul.f32 v6, v5  }
0x98: {  	v3 =	vld [tilespmem:s19+$0x5200]  }
0x99: {  	v4 =	vld [tilespmem:s19+$0x8800];
	v5 =	vmul.f32 v59, v8;
	v0 =	vadd.f32 v1, v0  }
0x9a: {  	v6 =	vld [tilespmem:s19+$0x5400]  }
0x9b: {  	v8 =	vld [tilespmem:s19+$0x8A00];
	v2 =	vmul.f32 v2, v60;
	v1 =	vadd.f32 v5, v7;
	v0 =	vsub.f32 $0.0e+00, v0  }
0x9c: {  	v5 =	vld [tilespmem:s19+$0x5600]  }
0x9d: {  	v7 =	vld [tilespmem:s19+$0x8C00];
	v1 =	vadd.f32 v2, v1;
	v2 =	vmul.f32 v3, v61;
	v0 =	vmul.f32 $1.442695020e+00, v0  }
0x9e: {  	v3 =	vld [tilespmem:s19+$0x5800]  }
0x9f: {  	v1 =	vadd.f32 v2, v1;
	v2 =	vmul.f32 v6, v4;
	v4 =	vld [tilespmem:s19+$0x5A00];
	(erf) = vpow2.f32 v0  }
0xa0: {  	v6 =	vld [tilespmem:s19+$0x9000]  }
0xa1: {  	v0 =	vadd.f32 v2, v1;
	v1 =	vmul.f32 v5, v8;
	v2 =	vld [tilespmem:s19+$0x5C00]  }
0xa2: {  	v5 =	vld [tilespmem:s19+$0x9200]  }
0xa3: {  	v0 =	vadd.f32 v1, v0;
	v1 =	vmul.f32 v3, v7;
	v3 =	vld [tilespmem:s19+$0x5E00];
	_ =	sdelay $0x2  }
0xa4: {  	v7 =	vld [tilespmem:s19+$0x9400];
	v0 =	vadd.f32 v1, v0;
	v1 =	vmul.f32 v4, v62  }
0xa5: {  	v4 =	vld [tilespmem:s19+$0x6000]  }
0xa6: {  	v8 =	vld [tilespmem:s19+$0x9600];
	v2 =	vmul.f32 v2, v6;
	v1 =	vadd.f32 v1, v0;
	v3 =	vmul.f32 v3, v5;
	v5 =	vpop (erf)  }
0xa7: {  	v6 =	vld [tilespmem:s19+$0x6200];
	v5 =	vadd.f32 $1.000000000e+00, v5  }
0xa8: {  	v0 =	vld [tilespmem:s19+$0x9800];
	v63 =	vadd.f32 v2, v1  }
0xa9: {  	v2 =	vld [tilespmem:s19+$0x6400];
	(erf) = vrcp.f32 v5  }
0xaa: {  	v1 =	vld [tilespmem:s19+$0x9A00];
	v7 =	vmul.f32 v4, v7;
	v9 =	vadd.f32 v3, v63  }
0xab: {  	s21 =	simm.s32 $0x20;
	v3 =	vld [tilespmem:s19+$0x6600]  }
0xac: {  	v4 =	vld [tilespmem:s21+$0x9C80];
	v6 =	vmul.f32 v6, v8;
	v5 =	vadd.f32 v7, v9  }
0xad: {  	s22 =	simm.s32 $0xC0;
	v7 =	vld [tilespmem:s21+$0x8200]  }
.LBB2_4:
0xae: {  	p0 =	sne.s32 s22, $0x7C0;
	v8 =	vld [tilespmem:s21+$0x4E00];
	v5 =	vadd.f32 v6, v5;
	v0 =	vmul.f32 v2, v0  }
0xaf: {  	v2 =	vld [tilespmem:s21+$0x8400]  }
0xb0: {  	v6 =	vld [tilespmem:s21+$0x5000];
	v0 =	vadd.f32 v0, v5;
	v9 =	vmul.f32 v3, v1  }
0xb1: {  	v3 =	vld [tilespmem:s21+$0x8600]  }
0xb2: {  	v5 =	vld [tilespmem:s21+$0x5200];
	v0 =	vadd.f32 v9, v0;
	v1 =	vpop (erf)  }
0xb3: {  	v7 =	vmul.f32 v8, v7;
	v8 =	vld [tilespmem:s21+$0x8800];
	[tilespmem:s20+$0x9E80] =	vst v1;
	s20 =	smov.u32 s19;
	s19 =	smov.u32 s21  }
0xb4: {  	v1 =	vld [tilespmem:s19+$0x5400];
	v0 =	vsub.f32 $0.0e+00, v0  }
0xb5: {  	v4 =	vadd.f32 v7, v4;
	v2 =	vmul.f32 v6, v2;
	v6 =	vld [tilespmem:s19+$0x8A00]  }
0xb6: {  	v7 =	vld [tilespmem:s19+$0x5600];
	v0 =	vmul.f32 $1.442695020e+00, v0  }
0xb7: {  	v2 =	vadd.f32 v2, v4;
	v3 =	vmul.f32 v5, v3;
	v4 =	vld [tilespmem:s19+$0x8C00]  }
0xb8: {  	v5 =	vld [tilespmem:s19+$0x5800];
	(erf) = vpow2.f32 v0  }
0xb9: {  	v0 =	vadd.f32 v3, v2;
	v1 =	vmul.f32 v1, v8;
	v2 =	vld [tilespmem:s19+$0x8E00]  }
0xba: {  	v3 =	vld [tilespmem:s19+$0x5A00]  }
0xbb: {  	v0 =	vadd.f32 v1, v0;
	v1 =	vmul.f32 v7, v6;
	v6 =	vld [tilespmem:s19+$0x9000]  }
0xbc: {  	v7 =	vld [tilespmem:s19+$0x5C00]  }
0xbd: {  	v0 =	vadd.f32 v1, v0;
	v1 =	vmul.f32 v5, v4;
	v4 =	vld [tilespmem:s19+$0x9200]  }
0xbe: {  	v5 =	vld [tilespmem:s19+$0x5E00]  }
0xbf: {  	v0 =	vadd.f32 v1, v0;
	v1 =	vmul.f32 v3, v2;
	v3 =	vld [tilespmem:s19+$0x9400]  }
0xc0: {  	v8 =	vld [tilespmem:s19+$0x6000]  }
0xc1: {  	v0 =	vadd.f32 v1, v0;
	v1 =	vmul.f32 v7, v6;
	v6 =	vld [tilespmem:s19+$0x9600];
	v2 =	vpop (erf)  }
0xc2: {  	v7 =	vld [tilespmem:s19+$0x6200];
	v9 =	vadd.f32 $1.000000000e+00, v2  }
0xc3: {  	v1 =	vadd.f32 v1, v0;
	v4 =	vmul.f32 v5, v4;
	v0 =	vld [tilespmem:s19+$0x9800]  }
.Ltmp1:
0xc4: {  	v2 =	vld [tilespmem:s19+$0x6400];
	(erf) = vrcp.f32 v9;
	(pc) =	sbr.rel @p0 .LBB2_4-.Ltmp1, $4  }
0xc5: {  	v5 =	vadd.f32 v4, v1;
	v8 =	vmul.f32 v8, v3;
	v1 =	vld [tilespmem:s19+$0x9A00]  }
0xc6: {  	s21 =	sshra.s32 s22, $0x2;
	v3 =	vld [tilespmem:s19+$0x6600]  }
0xc7: {  	v4 =	vld [tilespmem:s21+$0x9C80];
	v5 =	vadd.f32 v8, v5;
	v6 =	vmul.f32 v7, v6  }
0xc8: {  	s22 =	sadd.s32 $0x40, s22;
	v7 =	vld [tilespmem:s21+$0x8200]  }
0xc9: {  	v8 =	vld [tilespmem:s21+$0x4E00]  }
0xca: {  	v9 =	vld [tilespmem:s21+$0x8400]  }
0xcb: {  	v10 =	vld [tilespmem:s21+$0x5000]  }
0xcc: {  	v11 =	vld [tilespmem:s21+$0x8600]  }
0xcd: {  	v12 =	vld [tilespmem:s21+$0x5200];
	v13 =	vpop (erf)  }
0xce: {  	v14 =	vld [tilespmem:s21+$0x8800];
	v7 =	vmul.f32 v8, v7;
	[tilespmem:s20+$0x9E80] =	vst v13  }
0xcf: {  	v34 =	vld [tilespmem:s21+$0x5400]  }
0xd0: {  	v35 =	vmul.f32 v10, v9;
	v36 =	vld [tilespmem:s21+$0x8A00];
	v4 =	vadd.f32 v7, v4  }
0xd1: {  	v37 =	vld [tilespmem:s21+$0x5600]  }
0xd2: {  	v38 =	vmul.f32 v12, v11;
	v39 =	vld [tilespmem:s21+$0x8C00];
	v4 =	vadd.f32 v35, v4  }
0xd3: {  	v40 =	vld [tilespmem:s21+$0x5800]  }
0xd4: {  	v42 =	vld [tilespmem:s21+$0x8E00];
	v4 =	vadd.f32 v38, v4;
	v41 =	vmul.f32 v34, v14  }
0xd5: {  	v13 =	vld [tilespmem:s21+$0x5A00]  }
0xd6: {  	v44 =	vld [tilespmem:s21+$0x9000];
	v43 =	vmul.f32 v37, v36;
	v4 =	vadd.f32 v41, v4  }
0xd7: {  	v5 =	vadd.f32 v6, v5;
	v0 =	vmul.f32 v2, v0;
	v45 =	vld [tilespmem:s21+$0x5C00]  }
0xd8: {  	v47 =	vld [tilespmem:s21+$0x9200];
	v46 =	vmul.f32 v40, v39;
	v4 =	vadd.f32 v43, v4  }
0xd9: {  	v0 =	vadd.f32 v0, v5;
	v1 =	vmul.f32 v3, v1;
	v48 =	vld [tilespmem:s21+$0x5E00]  }
0xda: {  	v50 =	vld [tilespmem:s21+$0x9400];
	v49 =	vmul.f32 v13, v42;
	v4 =	vadd.f32 v46, v4  }
0xdb: {  	v0 =	vadd.f32 v1, v0;
	v51 =	vld [tilespmem:s21+$0x6000]  }
0xdc: {  	v52 =	vld [tilespmem:s21+$0x9600];
	v2 =	vmul.f32 v45, v44;
	v4 =	vadd.f32 v49, v4  }
0xdd: {  	v0 =	vsub.f32 $0.0e+00, v0;
	v53 =	vld [tilespmem:s21+$0x6200]  }
0xde: {  	v54 =	vld [tilespmem:s21+$0x9800];
	v3 =	vmul.f32 v48, v47;
	v2 =	vadd.f32 v2, v4  }
0xdf: {  	v55 =	vld [tilespmem:s21+$0x6400];
	v0 =	vmul.f32 $1.442695020e+00, v0  }
0xe0: {  	v56 =	vld [tilespmem:s21+$0x9A00];
	v1 =	vmul.f32 v51, v50;
	v2 =	vadd.f32 v3, v2  }
0xe1: {  	v57 =	vld [tilespmem:s21+$0x6600];
	(erf) = vpow2.f32 v0  }
0xe2: {  	v58 =	vmul.f32 v53, v52;
	v1 =	vadd.f32 v1, v2;
	_ =	sdelay $0x1  }
0xe3: {  	v59 =	vmul.f32 v55, v54;
	v1 =	vadd.f32 v58, v1;
	_ =	sdelay $0x1  }
0xe4: {  	v0 =	vmul.f32 v57, v56;
	v1 =	vadd.f32 v59, v1;
	_ =	sdelay $0x1  }
0xe5: {  	v0 =	vadd.f32 v0, v1;
	_ =	sdelay $0x1  }
0xe6: {  	v60 =	vpop (erf);
	v0 =	vsub.f32 $0.0e+00, v0  }
0xe7: {  	v1 =	vadd.f32 $1.000000000e+00, v60  }
0xe8: {  	v0 =	vmul.f32 $1.442695020e+00, v0  }
0xe9: {  	(erf) = vrcp.f32 v1  }
0xea: {  	(erf) = vpow2.f32 v0;
	_ =	sdelay $0x7  }
0xeb: {  	v61 =	vpop (erf)  }
0xec: {  	v62 =	vpop (erf)  }
0xed: {  	v1 =	vadd.f32 $1.000000000e+00, v62;
	_ =	sdelay $0x1  }
0xee: {  	(erf) = vrcp.f32 v1;
	_ =	sdelay $0x7  }
0xef: {  	s18 =	sadd.s32 $0x1, s18  }
0xf0: {  	p0 =	sne.s32 s18, s8;
	[tilespmem:s19+$0x9E80] =	vst v61;
	v63 =	vpop (erf)  }
.Ltmp2:
0xf1: {  	[tilespmem:s21+$0x9E80] =	vst v63;
	(pc) =	sbr.rel @p0 .LBB2_1-.Ltmp2, $4  }
0xf2: {  	[hbm4b:s7+s3] =	stream.linear.scatter [tilespmem:s17], [sflag:$0x3], $0x200, $0x38;
	[tilespmem:$0xA080] =	vst v63  }
0xf3: {  	_ =	swait.ge [sflag:s9], $0x200  }
0xf4: {  	[sflag:s9] =	ssyncset.done $0x0  }
0xf5: {  	[sflag:s9] =	ssyncadd.s32 $0xFFFFFE00  }
0xf6: {  	_ =	sfence.sel $0x180000  }
0xf7: {  	[bflag:$0x0] =	sbarrier.arrive $0xFFFF  }
0xf8: {  	p0 =	sne.s32 s0, $0x0;
	_ =	strace $0x90000047  }
0xf9: {  	s0 =	sadd.s32 @!p0 $0x100000, s1;
	[bflag:$0x2] =	sbarrier.arrive $0xFFFF  }
0xfa: {  	[sflag:s0] =	ssyncadd.tile.s32 @!p0 $0x1;
	_ =	shalt  }
.Lfunc_end2:
_tile_overlayer_lowered:
.L_overlay_start_2:
0xfb: {  	(tag) =	ssettag $0x2  }
0xfc: {  	s0 =	rddreg [dreg:$0x0];
	s2 =	stileid.u32  }
0xfd: {  	s1 =	rddreg [dreg:$0x1];
	p0 =	sne.s32 s2, $0x0  }
0xfe: {  	s3 =	rddreg [dreg:$0x2];
	[bflag:$0x3] =	sbarrier.arrive $0xFFFF;
	s2 =	simm.s32 @!p0 $0x1C03  }
0xff: {  	[timem:s3], [sflag:s2] =	dma.local @!p0 [hbm:s0], s1  }
0x100: {  	s0 =	simm.s32 @!p0 $0x3  }
0x101: {  	_ =	swait.ge @!p0 [sflag:s0], s1  }
0x102: {  	s1 =	ssub.s32 @!p0 $0x0, s1;
	[sflag:s0] =	ssyncset.done @!p0 $0x0  }
0x103: {  	[sflag:s0] =	ssyncadd.s32 @!p0 s1  }
0x104: {  	[bflag:$0x3] =	sbarrier.arrive $0xFFFF  }
0x105: {  	_ =	shalt  }

</sc_bundles>
